<compile_context>
chip_gen: v7x
topology: tpu7x:2x2x1
jax: 0.10.2.dev20260603
libtpu: 0.0.44.dev20260713+nightly
codegen_flags: <defaults>
</compile_context>

<pallas_src>
import functools

import jax
import jax.numpy as jnp
from jax import lax
from jax.experimental import pallas as pl
from jax.experimental.pallas import tpu as pltpu
from jax.experimental.pallas import tpu_sc as plsc


def sc_unpool(updates, mask):
    B, H, W, C = updates.shape
    Ho, Wo = 2 * H, 2 * W
    WoC = Wo * C
    NW = 32
    ROWS = (B * H) // NW
    K6 = C // 16

    mesh = plsc.VectorSubcoreMesh(core_axis_name="c", subcore_axis_name="s")

    @functools.partial(
        pl.kernel,
        out_type=jax.ShapeDtypeStruct((B, Ho, Wo, C), jnp.float32),
        mesh=mesh,
        scratch_types=[
            pltpu.VMEM((2, W, C), jnp.float32),
            pltpu.VMEM((2, W, C), jnp.int32),
            pltpu.VMEM((2, Wo, C), jnp.float32),
            pltpu.SemaphoreType.DMA,
            pltpu.SemaphoreType.DMA,
            pltpu.SemaphoreType.DMA,
            pltpu.SemaphoreType.DMA,
            pltpu.SemaphoreType.DMA,
        ],
        compiler_params=pltpu.CompilerParams(use_tc_tiling_on_sc=True),
    )
    def k(upd_hbm, mask_hbm, out_hbm, ubuf, mbuf, obuf,
          su0, su1, sm0, sm1, so):
        su = (su0, su1)
        sm = (sm0, sm1)
        wid = lax.axis_index("s") * 2 + lax.axis_index("c")
        row0 = wid * ROWS
        lane = lax.iota(jnp.int32, 16)

        def bh(t):
            i = row0 + t
            return i // H, i % H

        for ph in range(2):
            b, h = bh(ph)
            pltpu.async_copy(upd_hbm.at[b, h], ubuf.at[ph], su[ph])
            pltpu.async_copy(mask_hbm.at[b, h], mbuf.at[ph], sm[ph])

        def block(tt, carry):
            for ph in range(2):
                t = 2 * tt + ph
                b, h = bh(t)
                pltpu.make_async_copy(upd_hbm.at[b, h], ubuf.at[ph], su[ph]).wait()
                pltpu.make_async_copy(mask_hbm.at[b, h], mbuf.at[ph], sm[ph]).wait()

                if ph == 0:
                    @pl.when(tt >= 1)
                    def _():
                        pltpu.make_async_copy(
                            obuf, out_hbm.at[b, pl.ds(2 * h, 2)], so
                        ).wait()
                else:
                    pltpu.make_async_copy(
                        obuf, out_hbm.at[b, pl.ds(2 * h, 2)], so
                    ).wait()

                rowbase = (b * Ho + 2 * h) * WoC

                def w_body(w, carry2):
                    for k6 in range(K6):
                        c0 = k6 * 16
                        u = ubuf[ph, w, pl.ds(c0, 16)]
                        m = mbuf[ph, w, pl.ds(c0, 16)]
                        d = m - (rowbase + 2 * w * C + c0 + lane)
                        for dy in range(2):
                            for dx in range(2):
                                v = jnp.where(d == dy * WoC + dx * C, u, 0.0)
                                obuf[dy, 2 * w + dx, pl.ds(c0, 16)] = v
                    return carry2

                lax.fori_loop(0, W, w_body, 0)

                pltpu.async_copy(obuf, out_hbm.at[b, pl.ds(2 * h, 2)], so)

                @pl.when(t + 2 < ROWS)
                def _():
                    b2, h2 = bh(t + 2)
                    pltpu.async_copy(upd_hbm.at[b2, h2], ubuf.at[ph], su[ph])
                    pltpu.async_copy(mask_hbm.at[b2, h2], mbuf.at[ph], sm[ph])
            return carry

        lax.fori_loop(0, ROWS // 2, block, 0)

        b, h = bh(ROWS - 1)
        pltpu.make_async_copy(obuf, out_hbm.at[b, pl.ds(2 * h, 2)], so).wait()

    return k(updates, mask)


def kernel(updates, mask):
    return sc_unpool(updates, mask.astype(jnp.int32))

# --- scband reference (transcript-rebuilt; emitter-appended) ---
"""Pipeline reference for scband-max-unpooling2-d-19292993093787 (READ-ONLY COPY).

The authoritative reference and input builder live on the scoring server;
editing this copy changes nothing except your own understanding.
"""

import jax, jax.numpy as jnp
import numpy as np

B, H, W, C = 8, 112, 112, 96
UP = (2, 2)
Ho, Wo = H * UP[0], W * UP[1]


def setup_inputs(seed: int = 0) -> dict:
    key = jax.random.key(seed)
    k1, k2, k3 = jax.random.split(key, 3)
    updates = jax.random.normal(k1, (B, H, W, C), dtype=jnp.float32)
    # Build a valid argmax-style mask (as produced by tf.nn.max_pool_with_argmax
    # with batch included in the index): for each pooled position, pick a random
    # offset inside its 2x2 window in the unpooled output.
    oy = jax.random.randint(k2, (B, H, W, C), 0, UP[0])
    ox = jax.random.randint(k3, (B, H, W, C), 0, UP[1])
    bb = jnp.arange(B, dtype=jnp.int32).reshape(B, 1, 1, 1)
    yy = jnp.arange(H, dtype=jnp.int32).reshape(1, H, 1, 1) * UP[0] + oy
    xx = jnp.arange(W, dtype=jnp.int32).reshape(1, 1, W, 1) * UP[1] + ox
    ff = jnp.arange(C, dtype=jnp.int32).reshape(1, 1, 1, C)
    mask = ((bb * Ho + yy) * Wo + xx) * C + ff
    return {"updates": updates, "mask": mask}


def reference(updates, mask):
    mask = mask.astype(jnp.int32)
    Bq, Hq, Wq, Cq = updates.shape
    out_shape = (Bq, Hq * UP[0], Wq * UP[1], Cq)
    one_like_mask = jnp.ones_like(mask, dtype=jnp.int32)
    batch_range = jnp.arange(out_shape[0], dtype=jnp.int32).reshape(Bq, 1, 1, 1)
    b = one_like_mask * batch_range
    feature_range = jnp.arange(out_shape[3], dtype=jnp.int32)
    f = one_like_mask * feature_range
    y = (mask - f) // (out_shape[2] * out_shape[3]) - b * out_shape[1]
    x = (mask // out_shape[3]) % out_shape[2]
    flat_idx = ((b * out_shape[1] + y) * out_shape[2] + x) * out_shape[3] + f
    values = updates.reshape(-1)
    total = out_shape[0] * out_shape[1] * out_shape[2] * out_shape[3]
    # tf.scatter_nd accumulates duplicate indices -> use .at[].add
    ret_flat = jnp.zeros((total,), dtype=updates.dtype).at[flat_idx.reshape(-1)].add(values)
    return ret_flat.reshape(out_shape)

if __name__ == "__main__":
    import jax
    _d = setup_inputs()
    print(jax.jit(kernel)(*tuple(_d.values())))

</pallas_src>

<mosaic_0001>
#map = affine_map<(d0, d1) -> (0, 0, 0, 0)>
module attributes {stable_mosaic.version = 14 : i64} {
  func.func @k(%arg0: i32, %arg1: i32, %arg2: memref<8x112x112x96xf32, #tpu.memory_space<hbm>>, %arg3: memref<8x112x112x96xi32, #tpu.memory_space<hbm>>, %arg4: memref<8x224x224x96xf32, #tpu.memory_space<hbm>>, %arg5: memref<2x112x96xf32, #tpu.memory_space<vmem>>, %arg6: memref<2x112x96xi32, #tpu.memory_space<vmem>>, %arg7: memref<2x224x96xf32, #tpu.memory_space<vmem>>, %arg8: memref<!tpu.dma_semaphore, #tpu.memory_space<semaphore_mem>>, %arg9: memref<!tpu.dma_semaphore, #tpu.memory_space<semaphore_mem>>, %arg10: memref<!tpu.dma_semaphore, #tpu.memory_space<semaphore_mem>>, %arg11: memref<!tpu.dma_semaphore, #tpu.memory_space<semaphore_mem>>, %arg12: memref<!tpu.dma_semaphore, #tpu.memory_space<semaphore_mem>>) attributes {dimension_semantics = [#tpu.dimension_semantics<core_parallel>, #tpu.dimension_semantics<subcore_parallel>], iteration_bounds = array<i64: 2, 16>, scalar_prefetch = 0 : i64, scratch_operands = 8 : i64, tpu.core_type = #tpu.core_type<sc_vector_subcore>, window_params = [{transform_indices = #map}, {transform_indices = #map}, {transform_indices = #map}]} {
    %mul3A = arith.constant 2 : i32
    %mul3A_0 = arith.muli %arg1, %mul3A : i32
    %add3A = arith.addi %mul3A_0, %arg0 : i32
    %mul3A_1 = arith.constant 28 : i32
    %mul3A_2 = arith.muli %add3A, %mul3A_1 : i32
    %iota3A = tpu.iota {dimensions = array<i32: 0>} : vector<16xi32>
    %add3A_3 = arith.constant 0 : i32
    %add3A_4 = arith.addi %mul3A_2, %add3A_3 : i32
    %jit3A = arith.constant 112 : i32
    %div3A = arith.divsi %add3A_4, %jit3A : i32
    %sign3A = arith.constant 0 : i32
    %sign3A_5 = arith.cmpi sgt, %add3A_4, %sign3A : i32
    %sign3A_6 = arith.extui %sign3A_5 : i1 to i32
    %sign3A_7 = arith.constant 0 : i32
    %sign3A_8 = arith.cmpi slt, %add3A_4, %sign3A_7 : i32
    %sign3A_9 = arith.extui %sign3A_8 : i1 to i32
    %sign3A_10 = arith.subi %sign3A_6, %sign3A_9 : i32
    %sign3A_11 = arith.constant 0 : i32
    %sign3A_12 = arith.cmpi sgt, %jit3A, %sign3A_11 : i32
    %sign3A_13 = arith.extui %sign3A_12 : i1 to i32
    %sign3A_14 = arith.constant 0 : i32
    %sign3A_15 = arith.cmpi slt, %jit3A, %sign3A_14 : i32
    %sign3A_16 = arith.extui %sign3A_15 : i1 to i32
    %sign3A_17 = arith.subi %sign3A_13, %sign3A_16 : i32
    %ne3A = arith.cmpi ne, %sign3A_10, %sign3A_17 : i32
    %rem3A = arith.remsi %add3A_4, %jit3A : i32
    %ne3A_18 = arith.constant 0 : i32
    %ne3A_19 = arith.cmpi ne, %rem3A, %ne3A_18 : i32
    %and3A = arith.andi %ne3A, %ne3A_19 : i1
    %sub3A = arith.constant 1 : i32
    %sub3A_20 = arith.subi %div3A, %sub3A : i32
    %select_n3A = arith.select %and3A, %sub3A_20, %div3A : i32
    %jit3A_21 = arith.constant 112 : i32
    %eq3A = arith.constant 0 : i32
    %eq3A_22 = arith.cmpi eq, %jit3A_21, %eq3A : i32
    %jit3A_23 = arith.constant 1 : i32
    %select_n3A_24 = arith.select %eq3A_22, %jit3A_23, %jit3A_21 : i32
    %rem3A_25 = arith.remsi %add3A_4, %select_n3A_24 : i32
    %ne3A_26 = arith.constant 0 : i32
    %ne3A_27 = arith.cmpi ne, %rem3A_25, %ne3A_26 : i32
    %lt3A = arith.constant 0 : i32
    %lt3A_28 = arith.cmpi slt, %rem3A_25, %lt3A : i32
    %lt3A_29 = arith.constant 0 : i32
    %lt3A_30 = arith.cmpi slt, %select_n3A_24, %lt3A_29 : i32
    %ne3A_31 = arith.xori %lt3A_28, %lt3A_30 : i1
    %and3A_32 = arith.andi %ne3A_31, %ne3A_27 : i1
    %add3A_33 = arith.addi %rem3A_25, %select_n3A_24 : i32
    %select_n3A_34 = arith.select %and3A_32, %add3A_33, %rem3A_25 : i32
    %dma_start3A = arith.constant 0 : i32
    %dma_start3A_35 = arith.constant 0 : i32
    %dma_start3A_36 = arith.constant 0 : i32
    %dma_start3A_37 = tpu.memref_slice %arg5[%dma_start3A, %dma_start3A_35, %dma_start3A_36] : memref<2x112x96xf32, #tpu.memory_space<vmem>> -> memref<1x112x96xf32, #tpu.memory_space<vmem>>
    %dma_start3A_38 = tpu.memref_squeeze %dma_start3A_37 : memref<1x112x96xf32, #tpu.memory_space<vmem>> -> memref<112x96xf32, #tpu.memory_space<vmem>>
    %dma_start3A_39 = arith.constant 0 : i32
    %dma_start3A_40 = arith.constant 0 : i32
    %dma_start3A_41 = tpu.memref_slice %arg2[%select_n3A, %select_n3A_34, %dma_start3A_39, %dma_start3A_40] : memref<8x112x112x96xf32, #tpu.memory_space<hbm>> -> memref<1x1x112x96xf32, #tpu.memory_space<hbm>>
    %dma_start3A_42 = tpu.memref_squeeze %dma_start3A_41 : memref<1x1x112x96xf32, #tpu.memory_space<hbm>> -> memref<112x96xf32, #tpu.memory_space<hbm>>
    %dma_start3A_43 = arith.constant 0 : i32
    %dma_start3A_44 = arith.constant 0 : i32
    %dma_start3A_45 = tpu.memref_slice %arg5[%dma_start3A, %dma_start3A_43, %dma_start3A_44] : memref<2x112x96xf32, #tpu.memory_space<vmem>> -> memref<1x112x96xf32, #tpu.memory_space<vmem>>
    %dma_start3A_46 = tpu.memref_squeeze %dma_start3A_45 : memref<1x112x96xf32, #tpu.memory_space<vmem>> -> memref<112x96xf32, #tpu.memory_space<vmem>>
    %dma_start3A_47 = arith.constant 0 : i32
    %dma_start3A_48 = arith.constant 0 : i32
    %dma_start3A_49 = tpu.memref_slice %arg2[%select_n3A, %select_n3A_34, %dma_start3A_47, %dma_start3A_48] : memref<8x112x112x96xf32, #tpu.memory_space<hbm>> -> memref<1x1x112x96xf32, #tpu.memory_space<hbm>>
    %dma_start3A_50 = tpu.memref_squeeze %dma_start3A_49 : memref<1x1x112x96xf32, #tpu.memory_space<hbm>> -> memref<112x96xf32, #tpu.memory_space<hbm>>
    tpu.enqueue_dma source(%dma_start3A_50 : memref<112x96xf32, #tpu.memory_space<hbm>>) target(%dma_start3A_46 : memref<112x96xf32, #tpu.memory_space<vmem>>) target_semaphore(%arg8 : memref<!tpu.dma_semaphore, #tpu.memory_space<semaphore_mem>>)
    %dma_start3A_51 = arith.constant 0 : i32
    %dma_start3A_52 = arith.constant 0 : i32
    %dma_start3A_53 = arith.constant 0 : i32
    %dma_start3A_54 = tpu.memref_slice %arg6[%dma_start3A_51, %dma_start3A_52, %dma_start3A_53] : memref<2x112x96xi32, #tpu.memory_space<vmem>> -> memref<1x112x96xi32, #tpu.memory_space<vmem>>
    %dma_start3A_55 = tpu.memref_squeeze %dma_start3A_54 : memref<1x112x96xi32, #tpu.memory_space<vmem>> -> memref<112x96xi32, #tpu.memory_space<vmem>>
    %dma_start3A_56 = arith.constant 0 : i32
    %dma_start3A_57 = arith.constant 0 : i32
    %dma_start3A_58 = tpu.memref_slice %arg3[%select_n3A, %select_n3A_34, %dma_start3A_56, %dma_start3A_57] : memref<8x112x112x96xi32, #tpu.memory_space<hbm>> -> memref<1x1x112x96xi32, #tpu.memory_space<hbm>>
    %dma_start3A_59 = tpu.memref_squeeze %dma_start3A_58 : memref<1x1x112x96xi32, #tpu.memory_space<hbm>> -> memref<112x96xi32, #tpu.memory_space<hbm>>
    %dma_start3A_60 = arith.constant 0 : i32
    %dma_start3A_61 = arith.constant 0 : i32
    %dma_start3A_62 = tpu.memref_slice %arg6[%dma_start3A_51, %dma_start3A_60, %dma_start3A_61] : memref<2x112x96xi32, #tpu.memory_space<vmem>> -> memref<1x112x96xi32, #tpu.memory_space<vmem>>
    %dma_start3A_63 = tpu.memref_squeeze %dma_start3A_62 : memref<1x112x96xi32, #tpu.memory_space<vmem>> -> memref<112x96xi32, #tpu.memory_space<vmem>>
    %dma_start3A_64 = arith.constant 0 : i32
    %dma_start3A_65 = arith.constant 0 : i32
    %dma_start3A_66 = tpu.memref_slice %arg3[%select_n3A, %select_n3A_34, %dma_start3A_64, %dma_start3A_65] : memref<8x112x112x96xi32, #tpu.memory_space<hbm>> -> memref<1x1x112x96xi32, #tpu.memory_space<hbm>>
    %dma_start3A_67 = tpu.memref_squeeze %dma_start3A_66 : memref<1x1x112x96xi32, #tpu.memory_space<hbm>> -> memref<112x96xi32, #tpu.memory_space<hbm>>
    tpu.enqueue_dma source(%dma_start3A_67 : memref<112x96xi32, #tpu.memory_space<hbm>>) target(%dma_start3A_63 : memref<112x96xi32, #tpu.memory_space<vmem>>) target_semaphore(%arg10 : memref<!tpu.dma_semaphore, #tpu.memory_space<semaphore_mem>>)
    %add3A_68 = arith.constant 1 : i32
    %add3A_69 = arith.addi %mul3A_2, %add3A_68 : i32
    %jit3A_70 = arith.constant 112 : i32
    %div3A_71 = arith.divsi %add3A_69, %jit3A_70 : i32
    %sign3A_72 = arith.constant 0 : i32
    %sign3A_73 = arith.cmpi sgt, %add3A_69, %sign3A_72 : i32
    %sign3A_74 = arith.extui %sign3A_73 : i1 to i32
    %sign3A_75 = arith.constant 0 : i32
    %sign3A_76 = arith.cmpi slt, %add3A_69, %sign3A_75 : i32
    %sign3A_77 = arith.extui %sign3A_76 : i1 to i32
    %sign3A_78 = arith.subi %sign3A_74, %sign3A_77 : i32
    %sign3A_79 = arith.constant 0 : i32
    %sign3A_80 = arith.cmpi sgt, %jit3A_70, %sign3A_79 : i32
    %sign3A_81 = arith.extui %sign3A_80 : i1 to i32
    %sign3A_82 = arith.constant 0 : i32
    %sign3A_83 = arith.cmpi slt, %jit3A_70, %sign3A_82 : i32
    %sign3A_84 = arith.extui %sign3A_83 : i1 to i32
    %sign3A_85 = arith.subi %sign3A_81, %sign3A_84 : i32
    %ne3A_86 = arith.cmpi ne, %sign3A_78, %sign3A_85 : i32
    %rem3A_87 = arith.remsi %add3A_69, %jit3A_70 : i32
    %ne3A_88 = arith.constant 0 : i32
    %ne3A_89 = arith.cmpi ne, %rem3A_87, %ne3A_88 : i32
    %and3A_90 = arith.andi %ne3A_86, %ne3A_89 : i1
    %sub3A_91 = arith.constant 1 : i32
    %sub3A_92 = arith.subi %div3A_71, %sub3A_91 : i32
    %select_n3A_93 = arith.select %and3A_90, %sub3A_92, %div3A_71 : i32
    %jit3A_94 = arith.constant 112 : i32
    %eq3A_95 = arith.constant 0 : i32
    %eq3A_96 = arith.cmpi eq, %jit3A_94, %eq3A_95 : i32
    %jit3A_97 = arith.constant 1 : i32
    %select_n3A_98 = arith.select %eq3A_96, %jit3A_97, %jit3A_94 : i32
    %rem3A_99 = arith.remsi %add3A_69, %select_n3A_98 : i32
    %ne3A_100 = arith.constant 0 : i32
    %ne3A_101 = arith.cmpi ne, %rem3A_99, %ne3A_100 : i32
    %lt3A_102 = arith.constant 0 : i32
    %lt3A_103 = arith.cmpi slt, %rem3A_99, %lt3A_102 : i32
    %lt3A_104 = arith.constant 0 : i32
    %lt3A_105 = arith.cmpi slt, %select_n3A_98, %lt3A_104 : i32
    %ne3A_106 = arith.xori %lt3A_103, %lt3A_105 : i1
    %and3A_107 = arith.andi %ne3A_106, %ne3A_101 : i1
    %add3A_108 = arith.addi %rem3A_99, %select_n3A_98 : i32
    %select_n3A_109 = arith.select %and3A_107, %add3A_108, %rem3A_99 : i32
    %dma_start3A_110 = arith.constant 1 : i32
    %dma_start3A_111 = arith.constant 0 : i32
    %dma_start3A_112 = arith.constant 0 : i32
    %dma_start3A_113 = tpu.memref_slice %arg5[%dma_start3A_110, %dma_start3A_111, %dma_start3A_112] : memref<2x112x96xf32, #tpu.memory_space<vmem>> -> memref<1x112x96xf32, #tpu.memory_space<vmem>>
    %dma_start3A_114 = tpu.memref_squeeze %dma_start3A_113 : memref<1x112x96xf32, #tpu.memory_space<vmem>> -> memref<112x96xf32, #tpu.memory_space<vmem>>
    %dma_start3A_115 = arith.constant 0 : i32
    %dma_start3A_116 = arith.constant 0 : i32
    %dma_start3A_117 = tpu.memref_slice %arg2[%select_n3A_93, %select_n3A_109, %dma_start3A_115, %dma_start3A_116] : memref<8x112x112x96xf32, #tpu.memory_space<hbm>> -> memref<1x1x112x96xf32, #tpu.memory_space<hbm>>
    %dma_start3A_118 = tpu.memref_squeeze %dma_start3A_117 : memref<1x1x112x96xf32, #tpu.memory_space<hbm>> -> memref<112x96xf32, #tpu.memory_space<hbm>>
    %dma_start3A_119 = arith.constant 0 : i32
    %dma_start3A_120 = arith.constant 0 : i32
    %dma_start3A_121 = tpu.memref_slice %arg5[%dma_start3A_110, %dma_start3A_119, %dma_start3A_120] : memref<2x112x96xf32, #tpu.memory_space<vmem>> -> memref<1x112x96xf32, #tpu.memory_space<vmem>>
    %dma_start3A_122 = tpu.memref_squeeze %dma_start3A_121 : memref<1x112x96xf32, #tpu.memory_space<vmem>> -> memref<112x96xf32, #tpu.memory_space<vmem>>
    %dma_start3A_123 = arith.constant 0 : i32
    %dma_start3A_124 = arith.constant 0 : i32
    %dma_start3A_125 = tpu.memref_slice %arg2[%select_n3A_93, %select_n3A_109, %dma_start3A_123, %dma_start3A_124] : memref<8x112x112x96xf32, #tpu.memory_space<hbm>> -> memref<1x1x112x96xf32, #tpu.memory_space<hbm>>
    %dma_start3A_126 = tpu.memref_squeeze %dma_start3A_125 : memref<1x1x112x96xf32, #tpu.memory_space<hbm>> -> memref<112x96xf32, #tpu.memory_space<hbm>>
    tpu.enqueue_dma source(%dma_start3A_126 : memref<112x96xf32, #tpu.memory_space<hbm>>) target(%dma_start3A_122 : memref<112x96xf32, #tpu.memory_space<vmem>>) target_semaphore(%arg9 : memref<!tpu.dma_semaphore, #tpu.memory_space<semaphore_mem>>)
    %dma_start3A_127 = arith.constant 1 : i32
    %dma_start3A_128 = arith.constant 0 : i32
    %dma_start3A_129 = arith.constant 0 : i32
    %dma_start3A_130 = tpu.memref_slice %arg6[%dma_start3A_127, %dma_start3A_128, %dma_start3A_129] : memref<2x112x96xi32, #tpu.memory_space<vmem>> -> memref<1x112x96xi32, #tpu.memory_space<vmem>>
    %dma_start3A_131 = tpu.memref_squeeze %dma_start3A_130 : memref<1x112x96xi32, #tpu.memory_space<vmem>> -> memref<112x96xi32, #tpu.memory_space<vmem>>
    %dma_start3A_132 = arith.constant 0 : i32
    %dma_start3A_133 = arith.constant 0 : i32
    %dma_start3A_134 = tpu.memref_slice %arg3[%select_n3A_93, %select_n3A_109, %dma_start3A_132, %dma_start3A_133] : memref<8x112x112x96xi32, #tpu.memory_space<hbm>> -> memref<1x1x112x96xi32, #tpu.memory_space<hbm>>
    %dma_start3A_135 = tpu.memref_squeeze %dma_start3A_134 : memref<1x1x112x96xi32, #tpu.memory_space<hbm>> -> memref<112x96xi32, #tpu.memory_space<hbm>>
    %dma_start3A_136 = arith.constant 0 : i32
    %dma_start3A_137 = arith.constant 0 : i32
    %dma_start3A_138 = tpu.memref_slice %arg6[%dma_start3A_127, %dma_start3A_136, %dma_start3A_137] : memref<2x112x96xi32, #tpu.memory_space<vmem>> -> memref<1x112x96xi32, #tpu.memory_space<vmem>>
    %dma_start3A_139 = tpu.memref_squeeze %dma_start3A_138 : memref<1x112x96xi32, #tpu.memory_space<vmem>> -> memref<112x96xi32, #tpu.memory_space<vmem>>
    %dma_start3A_140 = arith.constant 0 : i32
    %dma_start3A_141 = arith.constant 0 : i32
    %dma_start3A_142 = tpu.memref_slice %arg3[%select_n3A_93, %select_n3A_109, %dma_start3A_140, %dma_start3A_141] : memref<8x112x112x96xi32, #tpu.memory_space<hbm>> -> memref<1x1x112x96xi32, #tpu.memory_space<hbm>>
    %dma_start3A_143 = tpu.memref_squeeze %dma_start3A_142 : memref<1x1x112x96xi32, #tpu.memory_space<hbm>> -> memref<112x96xi32, #tpu.memory_space<hbm>>
    tpu.enqueue_dma source(%dma_start3A_143 : memref<112x96xi32, #tpu.memory_space<hbm>>) target(%dma_start3A_139 : memref<112x96xi32, #tpu.memory_space<vmem>>) target_semaphore(%arg11 : memref<!tpu.dma_semaphore, #tpu.memory_space<semaphore_mem>>)
    %scan3A = arith.constant 0 : i32
    %scan3A_144 = arith.constant 0 : i32
    %scan3A_145 = arith.constant 14 : i32
    %scan3A_146 = arith.addi %scan3A_144, %scan3A_145 : i32
    %scan3A_147 = arith.constant 1 : i32
    scf.for %scan3A_200 = %scan3A_144 to %scan3A_146 step %scan3A_147  : i32 {
      %mul3A_201 = arith.constant 2 : i32
      %mul3A_202 = arith.muli %mul3A_201, %scan3A_200 : i32
      %add3A_203 = arith.constant 0 : i32
      %add3A_204 = arith.addi %mul3A_202, %add3A_203 : i32
      %add3A_205 = arith.addi %mul3A_2, %add3A_204 : i32
      %jit3A_206 = arith.constant 112 : i32
      %div3A_207 = arith.divsi %add3A_205, %jit3A_206 : i32
      %sign3A_208 = arith.constant 0 : i32
      %sign3A_209 = arith.cmpi sgt, %add3A_205, %sign3A_208 : i32
      %sign3A_210 = arith.extui %sign3A_209 : i1 to i32
      %sign3A_211 = arith.constant 0 : i32
      %sign3A_212 = arith.cmpi slt, %add3A_205, %sign3A_211 : i32
      %sign3A_213 = arith.extui %sign3A_212 : i1 to i32
      %sign3A_214 = arith.subi %sign3A_210, %sign3A_213 : i32
      %sign3A_215 = arith.constant 0 : i32
      %sign3A_216 = arith.cmpi sgt, %jit3A_206, %sign3A_215 : i32
      %sign3A_217 = arith.extui %sign3A_216 : i1 to i32
      %sign3A_218 = arith.constant 0 : i32
      %sign3A_219 = arith.cmpi slt, %jit3A_206, %sign3A_218 : i32
      %sign3A_220 = arith.extui %sign3A_219 : i1 to i32
      %sign3A_221 = arith.subi %sign3A_217, %sign3A_220 : i32
      %ne3A_222 = arith.cmpi ne, %sign3A_214, %sign3A_221 : i32
      %rem3A_223 = arith.remsi %add3A_205, %jit3A_206 : i32
      %ne3A_224 = arith.constant 0 : i32
      %ne3A_225 = arith.cmpi ne, %rem3A_223, %ne3A_224 : i32
      %and3A_226 = arith.andi %ne3A_222, %ne3A_225 : i1
      %sub3A_227 = arith.constant 1 : i32
      %sub3A_228 = arith.subi %div3A_207, %sub3A_227 : i32
      %select_n3A_229 = arith.select %and3A_226, %sub3A_228, %div3A_207 : i32
      %jit3A_230 = arith.constant 112 : i32
      %eq3A_231 = arith.constant 0 : i32
      %eq3A_232 = arith.cmpi eq, %jit3A_230, %eq3A_231 : i32
      %jit3A_233 = arith.constant 1 : i32
      %select_n3A_234 = arith.select %eq3A_232, %jit3A_233, %jit3A_230 : i32
      %rem3A_235 = arith.remsi %add3A_205, %select_n3A_234 : i32
      %ne3A_236 = arith.constant 0 : i32
      %ne3A_237 = arith.cmpi ne, %rem3A_235, %ne3A_236 : i32
      %lt3A_238 = arith.constant 0 : i32
      %lt3A_239 = arith.cmpi slt, %rem3A_235, %lt3A_238 : i32
      %lt3A_240 = arith.constant 0 : i32
      %lt3A_241 = arith.cmpi slt, %select_n3A_234, %lt3A_240 : i32
      %ne3A_242 = arith.xori %lt3A_239, %lt3A_241 : i1
      %and3A_243 = arith.andi %ne3A_242, %ne3A_237 : i1
      %add3A_244 = arith.addi %rem3A_235, %select_n3A_234 : i32
      %select_n3A_245 = arith.select %and3A_243, %add3A_244, %rem3A_235 : i32
      %dma_wait3A_246 = arith.constant 0 : i32
      %dma_wait3A_247 = arith.constant 0 : i32
      %dma_wait3A_248 = arith.constant 0 : i32
      %dma_wait3A_249 = tpu.memref_slice %arg5[%dma_wait3A_246, %dma_wait3A_247, %dma_wait3A_248] : memref<2x112x96xf32, #tpu.memory_space<vmem>> -> memref<1x112x96xf32, #tpu.memory_space<vmem>>
      %dma_wait3A_250 = tpu.memref_squeeze %dma_wait3A_249 : memref<1x112x96xf32, #tpu.memory_space<vmem>> -> memref<112x96xf32, #tpu.memory_space<vmem>>
      %dma_wait3A_251 = arith.constant 0 : i32
      %dma_wait3A_252 = arith.constant 0 : i32
      %dma_wait3A_253 = tpu.memref_slice %arg2[%select_n3A_229, %select_n3A_245, %dma_wait3A_251, %dma_wait3A_252] : memref<8x112x112x96xf32, #tpu.memory_space<hbm>> -> memref<1x1x112x96xf32, #tpu.memory_space<hbm>>
      %dma_wait3A_254 = tpu.memref_squeeze %dma_wait3A_253 : memref<1x1x112x96xf32, #tpu.memory_space<hbm>> -> memref<112x96xf32, #tpu.memory_space<hbm>>
      %dma_wait3A_255 = arith.constant 0 : i32
      %dma_wait3A_256 = arith.constant 0 : i32
      %dma_wait3A_257 = tpu.memref_slice %arg5[%dma_wait3A_246, %dma_wait3A_255, %dma_wait3A_256] : memref<2x112x96xf32, #tpu.memory_space<vmem>> -> memref<1x112x96xf32, #tpu.memory_space<vmem>>
      %dma_wait3A_258 = tpu.memref_squeeze %dma_wait3A_257 : memref<1x112x96xf32, #tpu.memory_space<vmem>> -> memref<112x96xf32, #tpu.memory_space<vmem>>
      %dma_wait3A_259 = arith.constant 0 : i32
      %dma_wait3A_260 = arith.constant 0 : i32
      %dma_wait3A_261 = tpu.memref_slice %arg2[%select_n3A_229, %select_n3A_245, %dma_wait3A_259, %dma_wait3A_260] : memref<8x112x112x96xf32, #tpu.memory_space<hbm>> -> memref<1x1x112x96xf32, #tpu.memory_space<hbm>>
      %dma_wait3A_262 = tpu.memref_squeeze %dma_wait3A_261 : memref<1x1x112x96xf32, #tpu.memory_space<hbm>> -> memref<112x96xf32, #tpu.memory_space<hbm>>
      tpu.wait_dma2 semaphore(%arg8 : memref<!tpu.dma_semaphore, #tpu.memory_space<semaphore_mem>>) src(%dma_wait3A_262 : memref<112x96xf32, #tpu.memory_space<hbm>>) dst(%dma_wait3A_258 : memref<112x96xf32, #tpu.memory_space<vmem>>)
      %dma_wait3A_263 = arith.constant 0 : i32
      %dma_wait3A_264 = arith.constant 0 : i32
      %dma_wait3A_265 = arith.constant 0 : i32
      %dma_wait3A_266 = tpu.memref_slice %arg6[%dma_wait3A_263, %dma_wait3A_264, %dma_wait3A_265] : memref<2x112x96xi32, #tpu.memory_space<vmem>> -> memref<1x112x96xi32, #tpu.memory_space<vmem>>
      %dma_wait3A_267 = tpu.memref_squeeze %dma_wait3A_266 : memref<1x112x96xi32, #tpu.memory_space<vmem>> -> memref<112x96xi32, #tpu.memory_space<vmem>>
      %dma_wait3A_268 = arith.constant 0 : i32
      %dma_wait3A_269 = arith.constant 0 : i32
      %dma_wait3A_270 = tpu.memref_slice %arg3[%select_n3A_229, %select_n3A_245, %dma_wait3A_268, %dma_wait3A_269] : memref<8x112x112x96xi32, #tpu.memory_space<hbm>> -> memref<1x1x112x96xi32, #tpu.memory_space<hbm>>
      %dma_wait3A_271 = tpu.memref_squeeze %dma_wait3A_270 : memref<1x1x112x96xi32, #tpu.memory_space<hbm>> -> memref<112x96xi32, #tpu.memory_space<hbm>>
      %dma_wait3A_272 = arith.constant 0 : i32
      %dma_wait3A_273 = arith.constant 0 : i32
      %dma_wait3A_274 = tpu.memref_slice %arg6[%dma_wait3A_263, %dma_wait3A_272, %dma_wait3A_273] : memref<2x112x96xi32, #tpu.memory_space<vmem>> -> memref<1x112x96xi32, #tpu.memory_space<vmem>>
      %dma_wait3A_275 = tpu.memref_squeeze %dma_wait3A_274 : memref<1x112x96xi32, #tpu.memory_space<vmem>> -> memref<112x96xi32, #tpu.memory_space<vmem>>
      %dma_wait3A_276 = arith.constant 0 : i32
      %dma_wait3A_277 = arith.constant 0 : i32
      %dma_wait3A_278 = tpu.memref_slice %arg3[%select_n3A_229, %select_n3A_245, %dma_wait3A_276, %dma_wait3A_277] : memref<8x112x112x96xi32, #tpu.memory_space<hbm>> -> memref<1x1x112x96xi32, #tpu.memory_space<hbm>>
      %dma_wait3A_279 = tpu.memref_squeeze %dma_wait3A_278 : memref<1x1x112x96xi32, #tpu.memory_space<hbm>> -> memref<112x96xi32, #tpu.memory_space<hbm>>
      tpu.wait_dma2 semaphore(%arg10 : memref<!tpu.dma_semaphore, #tpu.memory_space<semaphore_mem>>) src(%dma_wait3A_279 : memref<112x96xi32, #tpu.memory_space<hbm>>) dst(%dma_wait3A_275 : memref<112x96xi32, #tpu.memory_space<vmem>>)
      %ge3A = arith.constant 1 : i32
      %ge3A_280 = arith.cmpi sge, %scan3A_200, %ge3A : i32
      %convert_element_type3A = arith.extui %ge3A_280 : i1 to i32
      %cond3A = arith.constant 0 : i32
      %cond3A_281 = arith.cmpi ne, %convert_element_type3A, %cond3A : i32
      scf.if %cond3A_281 {
        %mul3A_431 = arith.constant 2 : i32
        %mul3A_432 = arith.muli %mul3A_431, %select_n3A_245 : i32
        %dma_wait3A_433 = arith.constant 0 : i32
        %dma_wait3A_434 = arith.constant 0 : i32
        %dma_wait3A_435 = tpu.memref_slice %arg4[%select_n3A_229, %mul3A_432, %dma_wait3A_433, %dma_wait3A_434] : memref<8x224x224x96xf32, #tpu.memory_space<hbm>> -> memref<1x2x224x96xf32, #tpu.memory_space<hbm>>
        %dma_wait3A_436 = tpu.memref_squeeze %dma_wait3A_435 : memref<1x2x224x96xf32, #tpu.memory_space<hbm>> -> memref<2x224x96xf32, #tpu.memory_space<hbm>>
        %dma_wait3A_437 = arith.constant 0 : i32
        %dma_wait3A_438 = arith.constant 0 : i32
        %dma_wait3A_439 = tpu.memref_slice %arg4[%select_n3A_229, %mul3A_432, %dma_wait3A_437, %dma_wait3A_438] : memref<8x224x224x96xf32, #tpu.memory_space<hbm>> -> memref<1x2x224x96xf32, #tpu.memory_space<hbm>>
        %dma_wait3A_440 = tpu.memref_squeeze %dma_wait3A_439 : memref<1x2x224x96xf32, #tpu.memory_space<hbm>> -> memref<2x224x96xf32, #tpu.memory_space<hbm>>
        tpu.wait_dma2 semaphore(%arg12 : memref<!tpu.dma_semaphore, #tpu.memory_space<semaphore_mem>>) src(%arg7 : memref<2x224x96xf32, #tpu.memory_space<vmem>>) dst(%dma_wait3A_440 : memref<2x224x96xf32, #tpu.memory_space<hbm>>)
      } else {
      }
      %mul3A_282 = arith.constant 224 : i32
      %mul3A_283 = arith.muli %select_n3A_229, %mul3A_282 : i32
      %mul3A_284 = arith.constant 2 : i32
      %mul3A_285 = arith.muli %mul3A_284, %select_n3A_245 : i32
      %add3A_286 = arith.addi %mul3A_283, %mul3A_285 : i32
      %mul3A_287 = arith.constant 21504 : i32
      %mul3A_288 = arith.muli %add3A_286, %mul3A_287 : i32
      %scan3A_289 = arith.constant 0 : i32
      %scan3A_290 = arith.constant 0 : i32
      %scan3A_291 = arith.constant 112 : i32
      %scan3A_292 = arith.addi %scan3A_290, %scan3A_291 : i32
      %scan3A_293 = arith.constant 1 : i32
      scf.for %scan3A_431 = %scan3A_290 to %scan3A_292 step %scan3A_293  : i32 {
        %get3A = arith.constant 0 : i32
        %get3A_432 = arith.index_cast %get3A : i32 to index
        %get3A_433 = arith.index_cast %scan3A_431 : i32 to index
        %get3A_434 = arith.constant 0 : index
        %get3A_435 = tpu.vector_load %arg5[%get3A_432, %get3A_433, %get3A_434] {strides = array<i32>} : memref<2x112x96xf32, #tpu.memory_space<vmem>>, vector<1x1x16xf32>,
        %get3A_436 = vector.shape_cast %get3A_435 : vector<1x1x16xf32> to vector<16xf32>
        %get3A_437 = arith.constant 0 : i32
        %get3A_438 = arith.index_cast %get3A_437 : i32 to index
        %get3A_439 = arith.index_cast %scan3A_431 : i32 to index
        %get3A_440 = arith.constant 0 : index
        %get3A_441 = tpu.vector_load %arg6[%get3A_438, %get3A_439, %get3A_440] {strides = array<i32>} : memref<2x112x96xi32, #tpu.memory_space<vmem>>, vector<1x1x16xi32>,
        %get3A_442 = vector.shape_cast %get3A_441 : vector<1x1x16xi32> to vector<16xi32>
        %mul3A_443 = arith.constant 2 : i32
        %mul3A_444 = arith.muli %mul3A_443, %scan3A_431 : i32
        %mul3A_445 = arith.constant 96 : i32
        %mul3A_446 = arith.muli %mul3A_444, %mul3A_445 : i32
        %add3A_447 = arith.addi %mul3A_288, %mul3A_446 : i32
        %add3A_448 = arith.constant 0 : i32
        %add3A_449 = arith.addi %add3A_447, %add3A_448 : i32
        %add3A_450 = vector.broadcast %add3A_449 : i32 to vector<16xi32>
        %add3A_451 = arith.addi %add3A_450, %iota3A : vector<16xi32>
        %sub3A_452 = arith.subi %get3A_442, %add3A_451 : vector<16xi32>
        %eq3A_453 = arith.constant 0 : i32
        %eq3A_454 = vector.broadcast %eq3A_453 : i32 to vector<16xi32>
        %eq3A_455 = arith.cmpi eq, %sub3A_452, %eq3A_454 : vector<16xi32>
        %jit3A_456 = arith.constant 0.000000e+00 : f32
        %broadcast_in_dim3A = vector.broadcast %jit3A_456 : f32 to vector<16xf32>
        %select_n3A_457 = arith.select %eq3A_455, %get3A_436, %broadcast_in_dim3A : vector<16xi1>, vector<16xf32>
        %mul3A_458 = arith.constant 2 : i32
        %mul3A_459 = arith.muli %mul3A_458, %scan3A_431 : i32
        %add3A_460 = arith.constant 0 : i32
        %add3A_461 = arith.addi %mul3A_459, %add3A_460 : i32
        %swap3A = arith.constant 0 : i32
        %swap3A_462 = arith.index_cast %swap3A : i32 to index
        %swap3A_463 = arith.index_cast %add3A_461 : i32 to index
        %swap3A_464 = arith.constant 0 : index
        %swap3A_465 = tpu.vector_load %arg7[%swap3A_462, %swap3A_463, %swap3A_464] {strides = array<i32>} : memref<2x224x96xf32, #tpu.memory_space<vmem>>, vector<1x1x16xf32>,
        %swap3A_466 = vector.shape_cast %swap3A_465 : vector<1x1x16xf32> to vector<16xf32>
        %swap3A_467 = vector.shape_cast %select_n3A_457 : vector<16xf32> to vector<1x1x16xf32>
        tpu.vector_store %arg7[%swap3A_462, %swap3A_463, %swap3A_464], %swap3A_467 {strides = array<i32>} : memref<2x224x96xf32, #tpu.memory_space<vmem>>, vector<1x1x16xf32>,
        %eq3A_468 = arith.constant 96 : i32
        %eq3A_469 = vector.broadcast %eq3A_468 : i32 to vector<16xi32>
        %eq3A_470 = arith.cmpi eq, %sub3A_452, %eq3A_469 : vector<16xi32>
        %jit3A_471 = arith.constant 0.000000e+00 : f32
        %broadcast_in_dim3A_472 = vector.broadcast %jit3A_471 : f32 to vector<16xf32>
        %select_n3A_473 = arith.select %eq3A_470, %get3A_436, %broadcast_in_dim3A_472 : vector<16xi1>, vector<16xf32>
        %mul3A_474 = arith.constant 2 : i32
        %mul3A_475 = arith.muli %mul3A_474, %scan3A_431 : i32
        %add3A_476 = arith.constant 1 : i32
        %add3A_477 = arith.addi %mul3A_475, %add3A_476 : i32
        %swap3A_478 = arith.constant 0 : i32
        %swap3A_479 = arith.index_cast %swap3A_478 : i32 to index
        %swap3A_480 = arith.index_cast %add3A_477 : i32 to index
        %swap3A_481 = arith.constant 0 : index
        %swap3A_482 = tpu.vector_load %arg7[%swap3A_479, %swap3A_480, %swap3A_481] {strides = array<i32>} : memref<2x224x96xf32, #tpu.memory_space<vmem>>, vector<1x1x16xf32>,
        %swap3A_483 = vector.shape_cast %swap3A_482 : vector<1x1x16xf32> to vector<16xf32>
        %swap3A_484 = vector.shape_cast %select_n3A_473 : vector<16xf32> to vector<1x1x16xf32>
        tpu.vector_store %arg7[%swap3A_479, %swap3A_480, %swap3A_481], %swap3A_484 {strides = array<i32>} : memref<2x224x96xf32, #tpu.memory_space<vmem>>, vector<1x1x16xf32>,
        %eq3A_485 = arith.constant 21504 : i32
        %eq3A_486 = vector.broadcast %eq3A_485 : i32 to vector<16xi32>
        %eq3A_487 = arith.cmpi eq, %sub3A_452, %eq3A_486 : vector<16xi32>
        %jit3A_488 = arith.constant 0.000000e+00 : f32
        %broadcast_in_dim3A_489 = vector.broadcast %jit3A_488 : f32 to vector<16xf32>
        %select_n3A_490 = arith.select %eq3A_487, %get3A_436, %broadcast_in_dim3A_489 : vector<16xi1>, vector<16xf32>
        %mul3A_491 = arith.constant 2 : i32
        %mul3A_492 = arith.muli %mul3A_491, %scan3A_431 : i32
        %add3A_493 = arith.constant 0 : i32
        %add3A_494 = arith.addi %mul3A_492, %add3A_493 : i32
        %swap3A_495 = arith.constant 1 : i32
        %swap3A_496 = arith.index_cast %swap3A_495 : i32 to index
        %swap3A_497 = arith.index_cast %add3A_494 : i32 to index
        %swap3A_498 = arith.constant 0 : index
        %swap3A_499 = tpu.vector_load %arg7[%swap3A_496, %swap3A_497, %swap3A_498] {strides = array<i32>} : memref<2x224x96xf32, #tpu.memory_space<vmem>>, vector<1x1x16xf32>,
        %swap3A_500 = vector.shape_cast %swap3A_499 : vector<1x1x16xf32> to vector<16xf32>
        %swap3A_501 = vector.shape_cast %select_n3A_490 : vector<16xf32> to vector<1x1x16xf32>
        tpu.vector_store %arg7[%swap3A_496, %swap3A_497, %swap3A_498], %swap3A_501 {strides = array<i32>} : memref<2x224x96xf32, #tpu.memory_space<vmem>>, vector<1x1x16xf32>,
        %eq3A_502 = arith.constant 21600 : i32
        %eq3A_503 = vector.broadcast %eq3A_502 : i32 to vector<16xi32>
        %eq3A_504 = arith.cmpi eq, %sub3A_452, %eq3A_503 : vector<16xi32>
        %jit3A_505 = arith.constant 0.000000e+00 : f32
        %broadcast_in_dim3A_506 = vector.broadcast %jit3A_505 : f32 to vector<16xf32>
        %select_n3A_507 = arith.select %eq3A_504, %get3A_436, %broadcast_in_dim3A_506 : vector<16xi1>, vector<16xf32>
        %mul3A_508 = arith.constant 2 : i32
        %mul3A_509 = arith.muli %mul3A_508, %scan3A_431 : i32
        %add3A_510 = arith.constant 1 : i32
        %add3A_511 = arith.addi %mul3A_509, %add3A_510 : i32
        %swap3A_512 = arith.constant 1 : i32
        %swap3A_513 = arith.index_cast %swap3A_512 : i32 to index
        %swap3A_514 = arith.index_cast %add3A_511 : i32 to index
        %swap3A_515 = arith.constant 0 : index
        %swap3A_516 = tpu.vector_load %arg7[%swap3A_513, %swap3A_514, %swap3A_515] {strides = array<i32>} : memref<2x224x96xf32, #tpu.memory_space<vmem>>, vector<1x1x16xf32>,
        %swap3A_517 = vector.shape_cast %swap3A_516 : vector<1x1x16xf32> to vector<16xf32>
        %swap3A_518 = vector.shape_cast %select_n3A_507 : vector<16xf32> to vector<1x1x16xf32>
        tpu.vector_store %arg7[%swap3A_513, %swap3A_514, %swap3A_515], %swap3A_518 {strides = array<i32>} : memref<2x224x96xf32, #tpu.memory_space<vmem>>, vector<1x1x16xf32>,
        %get3A_519 = arith.constant 0 : i32
        %get3A_520 = arith.index_cast %get3A_519 : i32 to index
        %get3A_521 = arith.index_cast %scan3A_431 : i32 to index
        %get3A_522 = arith.constant 16 : index
        %get3A_523 = tpu.vector_load %arg5[%get3A_520, %get3A_521, %get3A_522] {strides = array<i32>} : memref<2x112x96xf32, #tpu.memory_space<vmem>>, vector<1x1x16xf32>,
        %get3A_524 = vector.shape_cast %get3A_523 : vector<1x1x16xf32> to vector<16xf32>
        %get3A_525 = arith.constant 0 : i32
        %get3A_526 = arith.index_cast %get3A_525 : i32 to index
        %get3A_527 = arith.index_cast %scan3A_431 : i32 to index
        %get3A_528 = arith.constant 16 : index
        %get3A_529 = tpu.vector_load %arg6[%get3A_526, %get3A_527, %get3A_528] {strides = array<i32>} : memref<2x112x96xi32, #tpu.memory_space<vmem>>, vector<1x1x16xi32>,
        %get3A_530 = vector.shape_cast %get3A_529 : vector<1x1x16xi32> to vector<16xi32>
        %mul3A_531 = arith.constant 2 : i32
        %mul3A_532 = arith.muli %mul3A_531, %scan3A_431 : i32
        %mul3A_533 = arith.constant 96 : i32
        %mul3A_534 = arith.muli %mul3A_532, %mul3A_533 : i32
        %add3A_535 = arith.addi %mul3A_288, %mul3A_534 : i32
        %add3A_536 = arith.constant 16 : i32
        %add3A_537 = arith.addi %add3A_535, %add3A_536 : i32
        %add3A_538 = vector.broadcast %add3A_537 : i32 to vector<16xi32>
        %add3A_539 = arith.addi %add3A_538, %iota3A : vector<16xi32>
        %sub3A_540 = arith.subi %get3A_530, %add3A_539 : vector<16xi32>
        %eq3A_541 = arith.constant 0 : i32
        %eq3A_542 = vector.broadcast %eq3A_541 : i32 to vector<16xi32>
        %eq3A_543 = arith.cmpi eq, %sub3A_540, %eq3A_542 : vector<16xi32>
        %jit3A_544 = arith.constant 0.000000e+00 : f32
        %broadcast_in_dim3A_545 = vector.broadcast %jit3A_544 : f32 to vector<16xf32>
        %select_n3A_546 = arith.select %eq3A_543, %get3A_524, %broadcast_in_dim3A_545 : vector<16xi1>, vector<16xf32>
        %mul3A_547 = arith.constant 2 : i32
        %mul3A_548 = arith.muli %mul3A_547, %scan3A_431 : i32
        %add3A_549 = arith.constant 0 : i32
        %add3A_550 = arith.addi %mul3A_548, %add3A_549 : i32
        %swap3A_551 = arith.constant 0 : i32
        %swap3A_552 = arith.index_cast %swap3A_551 : i32 to index
        %swap3A_553 = arith.index_cast %add3A_550 : i32 to index
        %swap3A_554 = arith.constant 16 : index
        %swap3A_555 = tpu.vector_load %arg7[%swap3A_552, %swap3A_553, %swap3A_554] {strides = array<i32>} : memref<2x224x96xf32, #tpu.memory_space<vmem>>, vector<1x1x16xf32>,
        %swap3A_556 = vector.shape_cast %swap3A_555 : vector<1x1x16xf32> to vector<16xf32>
        %swap3A_557 = vector.shape_cast %select_n3A_546 : vector<16xf32> to vector<1x1x16xf32>
        tpu.vector_store %arg7[%swap3A_552, %swap3A_553, %swap3A_554], %swap3A_557 {strides = array<i32>} : memref<2x224x96xf32, #tpu.memory_space<vmem>>, vector<1x1x16xf32>,
        %eq3A_558 = arith.constant 96 : i32
        %eq3A_559 = vector.broadcast %eq3A_558 : i32 to vector<16xi32>
        %eq3A_560 = arith.cmpi eq, %sub3A_540, %eq3A_559 : vector<16xi32>
        %jit3A_561 = arith.constant 0.000000e+00 : f32
        %broadcast_in_dim3A_562 = vector.broadcast %jit3A_561 : f32 to vector<16xf32>
        %select_n3A_563 = arith.select %eq3A_560, %get3A_524, %broadcast_in_dim3A_562 : vector<16xi1>, vector<16xf32>
        %mul3A_564 = arith.constant 2 : i32
        %mul3A_565 = arith.muli %mul3A_564, %scan3A_431 : i32
        %add3A_566 = arith.constant 1 : i32
        %add3A_567 = arith.addi %mul3A_565, %add3A_566 : i32
        %swap3A_568 = arith.constant 0 : i32
        %swap3A_569 = arith.index_cast %swap3A_568 : i32 to index
        %swap3A_570 = arith.index_cast %add3A_567 : i32 to index
        %swap3A_571 = arith.constant 16 : index
        %swap3A_572 = tpu.vector_load %arg7[%swap3A_569, %swap3A_570, %swap3A_571] {strides = array<i32>} : memref<2x224x96xf32, #tpu.memory_space<vmem>>, vector<1x1x16xf32>,
        %swap3A_573 = vector.shape_cast %swap3A_572 : vector<1x1x16xf32> to vector<16xf32>
        %swap3A_574 = vector.shape_cast %select_n3A_563 : vector<16xf32> to vector<1x1x16xf32>
        tpu.vector_store %arg7[%swap3A_569, %swap3A_570, %swap3A_571], %swap3A_574 {strides = array<i32>} : memref<2x224x96xf32, #tpu.memory_space<vmem>>, vector<1x1x16xf32>,
        %eq3A_575 = arith.constant 21504 : i32
        %eq3A_576 = vector.broadcast %eq3A_575 : i32 to vector<16xi32>
        %eq3A_577 = arith.cmpi eq, %sub3A_540, %eq3A_576 : vector<16xi32>
        %jit3A_578 = arith.constant 0.000000e+00 : f32
        %broadcast_in_dim3A_579 = vector.broadcast %jit3A_578 : f32 to vector<16xf32>
        %select_n3A_580 = arith.select %eq3A_577, %get3A_524, %broadcast_in_dim3A_579 : vector<16xi1>, vector<16xf32>
        %mul3A_581 = arith.constant 2 : i32
        %mul3A_582 = arith.muli %mul3A_581, %scan3A_431 : i32
        %add3A_583 = arith.constant 0 : i32
        %add3A_584 = arith.addi %mul3A_582, %add3A_583 : i32
        %swap3A_585 = arith.constant 1 : i32
        %swap3A_586 = arith.index_cast %swap3A_585 : i32 to index
        %swap3A_587 = arith.index_cast %add3A_584 : i32 to index
        %swap3A_588 = arith.constant 16 : index
        %swap3A_589 = tpu.vector_load %arg7[%swap3A_586, %swap3A_587, %swap3A_588] {strides = array<i32>} : memref<2x224x96xf32, #tpu.memory_space<vmem>>, vector<1x1x16xf32>,
        %swap3A_590 = vector.shape_cast %swap3A_589 : vector<1x1x16xf32> to vector<16xf32>
        %swap3A_591 = vector.shape_cast %select_n3A_580 : vector<16xf32> to vector<1x1x16xf32>
        tpu.vector_store %arg7[%swap3A_586, %swap3A_587, %swap3A_588], %swap3A_591 {strides = array<i32>} : memref<2x224x96xf32, #tpu.memory_space<vmem>>, vector<1x1x16xf32>,
        %eq3A_592 = arith.constant 21600 : i32
        %eq3A_593 = vector.broadcast %eq3A_592 : i32 to vector<16xi32>
        %eq3A_594 = arith.cmpi eq, %sub3A_540, %eq3A_593 : vector<16xi32>
        %jit3A_595 = arith.constant 0.000000e+00 : f32
        %broadcast_in_dim3A_596 = vector.broadcast %jit3A_595 : f32 to vector<16xf32>
        %select_n3A_597 = arith.select %eq3A_594, %get3A_524, %broadcast_in_dim3A_596 : vector<16xi1>, vector<16xf32>
        %mul3A_598 = arith.constant 2 : i32
        %mul3A_599 = arith.muli %mul3A_598, %scan3A_431 : i32
        %add3A_600 = arith.constant 1 : i32
        %add3A_601 = arith.addi %mul3A_599, %add3A_600 : i32
        %swap3A_602 = arith.constant 1 : i32
        %swap3A_603 = arith.index_cast %swap3A_602 : i32 to index
        %swap3A_604 = arith.index_cast %add3A_601 : i32 to index
        %swap3A_605 = arith.constant 16 : index
        %swap3A_606 = tpu.vector_load %arg7[%swap3A_603, %swap3A_604, %swap3A_605] {strides = array<i32>} : memref<2x224x96xf32, #tpu.memory_space<vmem>>, vector<1x1x16xf32>,
        %swap3A_607 = vector.shape_cast %swap3A_606 : vector<1x1x16xf32> to vector<16xf32>
        %swap3A_608 = vector.shape_cast %select_n3A_597 : vector<16xf32> to vector<1x1x16xf32>
        tpu.vector_store %arg7[%swap3A_603, %swap3A_604, %swap3A_605], %swap3A_608 {strides = array<i32>} : memref<2x224x96xf32, #tpu.memory_space<vmem>>, vector<1x1x16xf32>,
        %get3A_609 = arith.constant 0 : i32
        %get3A_610 = arith.index_cast %get3A_609 : i32 to index
        %get3A_611 = arith.index_cast %scan3A_431 : i32 to index
        %get3A_612 = arith.constant 32 : index
        %get3A_613 = tpu.vector_load %arg5[%get3A_610, %get3A_611, %get3A_612] {strides = array<i32>} : memref<2x112x96xf32, #tpu.memory_space<vmem>>, vector<1x1x16xf32>,
        %get3A_614 = vector.shape_cast %get3A_613 : vector<1x1x16xf32> to vector<16xf32>
        %get3A_615 = arith.constant 0 : i32
        %get3A_616 = arith.index_cast %get3A_615 : i32 to index
        %get3A_617 = arith.index_cast %scan3A_431 : i32 to index
        %get3A_618 = arith.constant 32 : index
        %get3A_619 = tpu.vector_load %arg6[%get3A_616, %get3A_617, %get3A_618] {strides = array<i32>} : memref<2x112x96xi32, #tpu.memory_space<vmem>>, vector<1x1x16xi32>,
        %get3A_620 = vector.shape_cast %get3A_619 : vector<1x1x16xi32> to vector<16xi32>
        %mul3A_621 = arith.constant 2 : i32
        %mul3A_622 = arith.muli %mul3A_621, %scan3A_431 : i32
        %mul3A_623 = arith.constant 96 : i32
        %mul3A_624 = arith.muli %mul3A_622, %mul3A_623 : i32
        %add3A_625 = arith.addi %mul3A_288, %mul3A_624 : i32
        %add3A_626 = arith.constant 32 : i32
        %add3A_627 = arith.addi %add3A_625, %add3A_626 : i32
        %add3A_628 = vector.broadcast %add3A_627 : i32 to vector<16xi32>
        %add3A_629 = arith.addi %add3A_628, %iota3A : vector<16xi32>
        %sub3A_630 = arith.subi %get3A_620, %add3A_629 : vector<16xi32>
        %eq3A_631 = arith.constant 0 : i32
        %eq3A_632 = vector.broadcast %eq3A_631 : i32 to vector<16xi32>
        %eq3A_633 = arith.cmpi eq, %sub3A_630, %eq3A_632 : vector<16xi32>
        %jit3A_634 = arith.constant 0.000000e+00 : f32
        %broadcast_in_dim3A_635 = vector.broadcast %jit3A_634 : f32 to vector<16xf32>
        %select_n3A_636 = arith.select %eq3A_633, %get3A_614, %broadcast_in_dim3A_635 : vector<16xi1>, vector<16xf32>
        %mul3A_637 = arith.constant 2 : i32
        %mul3A_638 = arith.muli %mul3A_637, %scan3A_431 : i32
        %add3A_639 = arith.constant 0 : i32
        %add3A_640 = arith.addi %mul3A_638, %add3A_639 : i32
        %swap3A_641 = arith.constant 0 : i32
        %swap3A_642 = arith.index_cast %swap3A_641 : i32 to index
        %swap3A_643 = arith.index_cast %add3A_640 : i32 to index
        %swap3A_644 = arith.constant 32 : index
        %swap3A_645 = tpu.vector_load %arg7[%swap3A_642, %swap3A_643, %swap3A_644] {strides = array<i32>} : memref<2x224x96xf32, #tpu.memory_space<vmem>>, vector<1x1x16xf32>,
        %swap3A_646 = vector.shape_cast %swap3A_645 : vector<1x1x16xf32> to vector<16xf32>
        %swap3A_647 = vector.shape_cast %select_n3A_636 : vector<16xf32> to vector<1x1x16xf32>
        tpu.vector_store %arg7[%swap3A_642, %swap3A_643, %swap3A_644], %swap3A_647 {strides = array<i32>} : memref<2x224x96xf32, #tpu.memory_space<vmem>>, vector<1x1x16xf32>,
        %eq3A_648 = arith.constant 96 : i32
        %eq3A_649 = vector.broadcast %eq3A_648 : i32 to vector<16xi32>
        %eq3A_650 = arith.cmpi eq, %sub3A_630, %eq3A_649 : vector<16xi32>
        %jit3A_651 = arith.constant 0.000000e+00 : f32
        %broadcast_in_dim3A_652 = vector.broadcast %jit3A_651 : f32 to vector<16xf32>
        %select_n3A_653 = arith.select %eq3A_650, %get3A_614, %broadcast_in_dim3A_652 : vector<16xi1>, vector<16xf32>
        %mul3A_654 = arith.constant 2 : i32
        %mul3A_655 = arith.muli %mul3A_654, %scan3A_431 : i32
        %add3A_656 = arith.constant 1 : i32
        %add3A_657 = arith.addi %mul3A_655, %add3A_656 : i32
        %swap3A_658 = arith.constant 0 : i32
        %swap3A_659 = arith.index_cast %swap3A_658 : i32 to index
        %swap3A_660 = arith.index_cast %add3A_657 : i32 to index
        %swap3A_661 = arith.constant 32 : index
        %swap3A_662 = tpu.vector_load %arg7[%swap3A_659, %swap3A_660, %swap3A_661] {strides = array<i32>} : memref<2x224x96xf32, #tpu.memory_space<vmem>>, vector<1x1x16xf32>,
        %swap3A_663 = vector.shape_cast %swap3A_662 : vector<1x1x16xf32> to vector<16xf32>
        %swap3A_664 = vector.shape_cast %select_n3A_653 : vector<16xf32> to vector<1x1x16xf32>
        tpu.vector_store %arg7[%swap3A_659, %swap3A_660, %swap3A_661], %swap3A_664 {strides = array<i32>} : memref<2x224x96xf32, #tpu.memory_space<vmem>>, vector<1x1x16xf32>,
        %eq3A_665 = arith.constant 21504 : i32
        %eq3A_666 = vector.broadcast %eq3A_665 : i32 to vector<16xi32>
        %eq3A_667 = arith.cmpi eq, %sub3A_630, %eq3A_666 : vector<16xi32>
        %jit3A_668 = arith.constant 0.000000e+00 : f32
        %broadcast_in_dim3A_669 = vector.broadcast %jit3A_668 : f32 to vector<16xf32>
        %select_n3A_670 = arith.select %eq3A_667, %get3A_614, %broadcast_in_dim3A_669 : vector<16xi1>, vector<16xf32>
        %mul3A_671 = arith.constant 2 : i32
        %mul3A_672 = arith.muli %mul3A_671, %scan3A_431 : i32
        %add3A_673 = arith.constant 0 : i32
        %add3A_674 = arith.addi %mul3A_672, %add3A_673 : i32
        %swap3A_675 = arith.constant 1 : i32
        %swap3A_676 = arith.index_cast %swap3A_675 : i32 to index
        %swap3A_677 = arith.index_cast %add3A_674 : i32 to index
        %swap3A_678 = arith.constant 32 : index
        %swap3A_679 = tpu.vector_load %arg7[%swap3A_676, %swap3A_677, %swap3A_678] {strides = array<i32>} : memref<2x224x96xf32, #tpu.memory_space<vmem>>, vector<1x1x16xf32>,
        %swap3A_680 = vector.shape_cast %swap3A_679 : vector<1x1x16xf32> to vector<16xf32>
        %swap3A_681 = vector.shape_cast %select_n3A_670 : vector<16xf32> to vector<1x1x16xf32>
        tpu.vector_store %arg7[%swap3A_676, %swap3A_677, %swap3A_678], %swap3A_681 {strides = array<i32>} : memref<2x224x96xf32, #tpu.memory_space<vmem>>, vector<1x1x16xf32>,
        %eq3A_682 = arith.constant 21600 : i32
        %eq3A_683 = vector.broadcast %eq3A_682 : i32 to vector<16xi32>
        %eq3A_684 = arith.cmpi eq, %sub3A_630, %eq3A_683 : vector<16xi32>
        %jit3A_685 = arith.constant 0.000000e+00 : f32
        %broadcast_in_dim3A_686 = vector.broadcast %jit3A_685 : f32 to vector<16xf32>
        %select_n3A_687 = arith.select %eq3A_684, %get3A_614, %broadcast_in_dim3A_686 : vector<16xi1>, vector<16xf32>
        %mul3A_688 = arith.constant 2 : i32
        %mul3A_689 = arith.muli %mul3A_688, %scan3A_431 : i32
        %add3A_690 = arith.constant 1 : i32
        %add3A_691 = arith.addi %mul3A_689, %add3A_690 : i32
        %swap3A_692 = arith.constant 1 : i32
        %swap3A_693 = arith.index_cast %swap3A_692 : i32 to index
        %swap3A_694 = arith.index_cast %add3A_691 : i32 to index
        %swap3A_695 = arith.constant 32 : index
        %swap3A_696 = tpu.vector_load %arg7[%swap3A_693, %swap3A_694, %swap3A_695] {strides = array<i32>} : memref<2x224x96xf32, #tpu.memory_space<vmem>>, vector<1x1x16xf32>,
        %swap3A_697 = vector.shape_cast %swap3A_696 : vector<1x1x16xf32> to vector<16xf32>
        %swap3A_698 = vector.shape_cast %select_n3A_687 : vector<16xf32> to vector<1x1x16xf32>
        tpu.vector_store %arg7[%swap3A_693, %swap3A_694, %swap3A_695], %swap3A_698 {strides = array<i32>} : memref<2x224x96xf32, #tpu.memory_space<vmem>>, vector<1x1x16xf32>,
        %get3A_699 = arith.constant 0 : i32
        %get3A_700 = arith.index_cast %get3A_699 : i32 to index
        %get3A_701 = arith.index_cast %scan3A_431 : i32 to index
        %get3A_702 = arith.constant 48 : index
        %get3A_703 = tpu.vector_load %arg5[%get3A_700, %get3A_701, %get3A_702] {strides = array<i32>} : memref<2x112x96xf32, #tpu.memory_space<vmem>>, vector<1x1x16xf32>,
        %get3A_704 = vector.shape_cast %get3A_703 : vector<1x1x16xf32> to vector<16xf32>
        %get3A_705 = arith.constant 0 : i32
        %get3A_706 = arith.index_cast %get3A_705 : i32 to index
        %get3A_707 = arith.index_cast %scan3A_431 : i32 to index
        %get3A_708 = arith.constant 48 : index
        %get3A_709 = tpu.vector_load %arg6[%get3A_706, %get3A_707, %get3A_708] {strides = array<i32>} : memref<2x112x96xi32, #tpu.memory_space<vmem>>, vector<1x1x16xi32>,
        %get3A_710 = vector.shape_cast %get3A_709 : vector<1x1x16xi32> to vector<16xi32>
        %mul3A_711 = arith.constant 2 : i32
        %mul3A_712 = arith.muli %mul3A_711, %scan3A_431 : i32
        %mul3A_713 = arith.constant 96 : i32
        %mul3A_714 = arith.muli %mul3A_712, %mul3A_713 : i32
        %add3A_715 = arith.addi %mul3A_288, %mul3A_714 : i32
        %add3A_716 = arith.constant 48 : i32
        %add3A_717 = arith.addi %add3A_715, %add3A_716 : i32
        %add3A_718 = vector.broadcast %add3A_717 : i32 to vector<16xi32>
        %add3A_719 = arith.addi %add3A_718, %iota3A : vector<16xi32>
        %sub3A_720 = arith.subi %get3A_710, %add3A_719 : vector<16xi32>
        %eq3A_721 = arith.constant 0 : i32
        %eq3A_722 = vector.broadcast %eq3A_721 : i32 to vector<16xi32>
        %eq3A_723 = arith.cmpi eq, %sub3A_720, %eq3A_722 : vector<16xi32>
        %jit3A_724 = arith.constant 0.000000e+00 : f32
        %broadcast_in_dim3A_725 = vector.broadcast %jit3A_724 : f32 to vector<16xf32>
        %select_n3A_726 = arith.select %eq3A_723, %get3A_704, %broadcast_in_dim3A_725 : vector<16xi1>, vector<16xf32>
        %mul3A_727 = arith.constant 2 : i32
        %mul3A_728 = arith.muli %mul3A_727, %scan3A_431 : i32
        %add3A_729 = arith.constant 0 : i32
        %add3A_730 = arith.addi %mul3A_728, %add3A_729 : i32
        %swap3A_731 = arith.constant 0 : i32
        %swap3A_732 = arith.index_cast %swap3A_731 : i32 to index
        %swap3A_733 = arith.index_cast %add3A_730 : i32 to index
        %swap3A_734 = arith.constant 48 : index
        %swap3A_735 = tpu.vector_load %arg7[%swap3A_732, %swap3A_733, %swap3A_734] {strides = array<i32>} : memref<2x224x96xf32, #tpu.memory_space<vmem>>, vector<1x1x16xf32>,
        %swap3A_736 = vector.shape_cast %swap3A_735 : vector<1x1x16xf32> to vector<16xf32>
        %swap3A_737 = vector.shape_cast %select_n3A_726 : vector<16xf32> to vector<1x1x16xf32>
        tpu.vector_store %arg7[%swap3A_732, %swap3A_733, %swap3A_734], %swap3A_737 {strides = array<i32>} : memref<2x224x96xf32, #tpu.memory_space<vmem>>, vector<1x1x16xf32>,
        %eq3A_738 = arith.constant 96 : i32
        %eq3A_739 = vector.broadcast %eq3A_738 : i32 to vector<16xi32>
        %eq3A_740 = arith.cmpi eq, %sub3A_720, %eq3A_739 : vector<16xi32>
        %jit3A_741 = arith.constant 0.000000e+00 : f32
        %broadcast_in_dim3A_742 = vector.broadcast %jit3A_741 : f32 to vector<16xf32>
        %select_n3A_743 = arith.select %eq3A_740, %get3A_704, %broadcast_in_dim3A_742 : vector<16xi1>, vector<16xf32>
        %mul3A_744 = arith.constant 2 : i32
        %mul3A_745 = arith.muli %mul3A_744, %scan3A_431 : i32
        %add3A_746 = arith.constant 1 : i32
        %add3A_747 = arith.addi %mul3A_745, %add3A_746 : i32
        %swap3A_748 = arith.constant 0 : i32
        %swap3A_749 = arith.index_cast %swap3A_748 : i32 to index
        %swap3A_750 = arith.index_cast %add3A_747 : i32 to index
        %swap3A_751 = arith.constant 48 : index
        %swap3A_752 = tpu.vector_load %arg7[%swap3A_749, %swap3A_750, %swap3A_751] {strides = array<i32>} : memref<2x224x96xf32, #tpu.memory_space<vmem>>, vector<1x1x16xf32>,
        %swap3A_753 = vector.shape_cast %swap3A_752 : vector<1x1x16xf32> to vector<16xf32>
        %swap3A_754 = vector.shape_cast %select_n3A_743 : vector<16xf32> to vector<1x1x16xf32>
        tpu.vector_store %arg7[%swap3A_749, %swap3A_750, %swap3A_751], %swap3A_754 {strides = array<i32>} : memref<2x224x96xf32, #tpu.memory_space<vmem>>, vector<1x1x16xf32>,
        %eq3A_755 = arith.constant 21504 : i32
        %eq3A_756 = vector.broadcast %eq3A_755 : i32 to vector<16xi32>
        %eq3A_757 = arith.cmpi eq, %sub3A_720, %eq3A_756 : vector<16xi32>
        %jit3A_758 = arith.constant 0.000000e+00 : f32
        %broadcast_in_dim3A_759 = vector.broadcast %jit3A_758 : f32 to vector<16xf32>
        %select_n3A_760 = arith.select %eq3A_757, %get3A_704, %broadcast_in_dim3A_759 : vector<16xi1>, vector<16xf32>
        %mul3A_761 = arith.constant 2 : i32
        %mul3A_762 = arith.muli %mul3A_761, %scan3A_431 : i32
        %add3A_763 = arith.constant 0 : i32
        %add3A_764 = arith.addi %mul3A_762, %add3A_763 : i32
        %swap3A_765 = arith.constant 1 : i32
        %swap3A_766 = arith.index_cast %swap3A_765 : i32 to index
        %swap3A_767 = arith.index_cast %add3A_764 : i32 to index
        %swap3A_768 = arith.constant 48 : index
        %swap3A_769 = tpu.vector_load %arg7[%swap3A_766, %swap3A_767, %swap3A_768] {strides = array<i32>} : memref<2x224x96xf32, #tpu.memory_space<vmem>>, vector<1x1x16xf32>,
        %swap3A_770 = vector.shape_cast %swap3A_769 : vector<1x1x16xf32> to vector<16xf32>
        %swap3A_771 = vector.shape_cast %select_n3A_760 : vector<16xf32> to vector<1x1x16xf32>
        tpu.vector_store %arg7[%swap3A_766, %swap3A_767, %swap3A_768], %swap3A_771 {strides = array<i32>} : memref<2x224x96xf32, #tpu.memory_space<vmem>>, vector<1x1x16xf32>,
        %eq3A_772 = arith.constant 21600 : i32
        %eq3A_773 = vector.broadcast %eq3A_772 : i32 to vector<16xi32>
        %eq3A_774 = arith.cmpi eq, %sub3A_720, %eq3A_773 : vector<16xi32>
        %jit3A_775 = arith.constant 0.000000e+00 : f32
        %broadcast_in_dim3A_776 = vector.broadcast %jit3A_775 : f32 to vector<16xf32>
        %select_n3A_777 = arith.select %eq3A_774, %get3A_704, %broadcast_in_dim3A_776 : vector<16xi1>, vector<16xf32>
        %mul3A_778 = arith.constant 2 : i32
        %mul3A_779 = arith.muli %mul3A_778, %scan3A_431 : i32
        %add3A_780 = arith.constant 1 : i32
        %add3A_781 = arith.addi %mul3A_779, %add3A_780 : i32
        %swap3A_782 = arith.constant 1 : i32
        %swap3A_783 = arith.index_cast %swap3A_782 : i32 to index
        %swap3A_784 = arith.index_cast %add3A_781 : i32 to index
        %swap3A_785 = arith.constant 48 : index
        %swap3A_786 = tpu.vector_load %arg7[%swap3A_783, %swap3A_784, %swap3A_785] {strides = array<i32>} : memref<2x224x96xf32, #tpu.memory_space<vmem>>, vector<1x1x16xf32>,
        %swap3A_787 = vector.shape_cast %swap3A_786 : vector<1x1x16xf32> to vector<16xf32>
        %swap3A_788 = vector.shape_cast %select_n3A_777 : vector<16xf32> to vector<1x1x16xf32>
        tpu.vector_store %arg7[%swap3A_783, %swap3A_784, %swap3A_785], %swap3A_788 {strides = array<i32>} : memref<2x224x96xf32, #tpu.memory_space<vmem>>, vector<1x1x16xf32>,
        %get3A_789 = arith.constant 0 : i32
        %get3A_790 = arith.index_cast %get3A_789 : i32 to index
        %get3A_791 = arith.index_cast %scan3A_431 : i32 to index
        %get3A_792 = arith.constant 64 : index
        %get3A_793 = tpu.vector_load %arg5[%get3A_790, %get3A_791, %get3A_792] {strides = array<i32>} : memref<2x112x96xf32, #tpu.memory_space<vmem>>, vector<1x1x16xf32>,
        %get3A_794 = vector.shape_cast %get3A_793 : vector<1x1x16xf32> to vector<16xf32>
        %get3A_795 = arith.constant 0 : i32
        %get3A_796 = arith.index_cast %get3A_795 : i32 to index
        %get3A_797 = arith.index_cast %scan3A_431 : i32 to index
        %get3A_798 = arith.constant 64 : index
        %get3A_799 = tpu.vector_load %arg6[%get3A_796, %get3A_797, %get3A_798] {strides = array<i32>} : memref<2x112x96xi32, #tpu.memory_space<vmem>>, vector<1x1x16xi32>,
        %get3A_800 = vector.shape_cast %get3A_799 : vector<1x1x16xi32> to vector<16xi32>
        %mul3A_801 = arith.constant 2 : i32
        %mul3A_802 = arith.muli %mul3A_801, %scan3A_431 : i32
        %mul3A_803 = arith.constant 96 : i32
        %mul3A_804 = arith.muli %mul3A_802, %mul3A_803 : i32
        %add3A_805 = arith.addi %mul3A_288, %mul3A_804 : i32
        %add3A_806 = arith.constant 64 : i32
        %add3A_807 = arith.addi %add3A_805, %add3A_806 : i32
        %add3A_808 = vector.broadcast %add3A_807 : i32 to vector<16xi32>
        %add3A_809 = arith.addi %add3A_808, %iota3A : vector<16xi32>
        %sub3A_810 = arith.subi %get3A_800, %add3A_809 : vector<16xi32>
        %eq3A_811 = arith.constant 0 : i32
        %eq3A_812 = vector.broadcast %eq3A_811 : i32 to vector<16xi32>
        %eq3A_813 = arith.cmpi eq, %sub3A_810, %eq3A_812 : vector<16xi32>
        %jit3A_814 = arith.constant 0.000000e+00 : f32
        %broadcast_in_dim3A_815 = vector.broadcast %jit3A_814 : f32 to vector<16xf32>
        %select_n3A_816 = arith.select %eq3A_813, %get3A_794, %broadcast_in_dim3A_815 : vector<16xi1>, vector<16xf32>
        %mul3A_817 = arith.constant 2 : i32
        %mul3A_818 = arith.muli %mul3A_817, %scan3A_431 : i32
        %add3A_819 = arith.constant 0 : i32
        %add3A_820 = arith.addi %mul3A_818, %add3A_819 : i32
        %swap3A_821 = arith.constant 0 : i32
        %swap3A_822 = arith.index_cast %swap3A_821 : i32 to index
        %swap3A_823 = arith.index_cast %add3A_820 : i32 to index
        %swap3A_824 = arith.constant 64 : index
        %swap3A_825 = tpu.vector_load %arg7[%swap3A_822, %swap3A_823, %swap3A_824] {strides = array<i32>} : memref<2x224x96xf32, #tpu.memory_space<vmem>>, vector<1x1x16xf32>,
        %swap3A_826 = vector.shape_cast %swap3A_825 : vector<1x1x16xf32> to vector<16xf32>
        %swap3A_827 = vector.shape_cast %select_n3A_816 : vector<16xf32> to vector<1x1x16xf32>
        tpu.vector_store %arg7[%swap3A_822, %swap3A_823, %swap3A_824], %swap3A_827 {strides = array<i32>} : memref<2x224x96xf32, #tpu.memory_space<vmem>>, vector<1x1x16xf32>,
        %eq3A_828 = arith.constant 96 : i32
        %eq3A_829 = vector.broadcast %eq3A_828 : i32 to vector<16xi32>
        %eq3A_830 = arith.cmpi eq, %sub3A_810, %eq3A_829 : vector<16xi32>
        %jit3A_831 = arith.constant 0.000000e+00 : f32
        %broadcast_in_dim3A_832 = vector.broadcast %jit3A_831 : f32 to vector<16xf32>
        %select_n3A_833 = arith.select %eq3A_830, %get3A_794, %broadcast_in_dim3A_832 : vector<16xi1>, vector<16xf32>
        %mul3A_834 = arith.constant 2 : i32
        %mul3A_835 = arith.muli %mul3A_834, %scan3A_431 : i32
        %add3A_836 = arith.constant 1 : i32
        %add3A_837 = arith.addi %mul3A_835, %add3A_836 : i32
        %swap3A_838 = arith.constant 0 : i32
        %swap3A_839 = arith.index_cast %swap3A_838 : i32 to index
        %swap3A_840 = arith.index_cast %add3A_837 : i32 to index
        %swap3A_841 = arith.constant 64 : index
        %swap3A_842 = tpu.vector_load %arg7[%swap3A_839, %swap3A_840, %swap3A_841] {strides = array<i32>} : memref<2x224x96xf32, #tpu.memory_space<vmem>>, vector<1x1x16xf32>,
        %swap3A_843 = vector.shape_cast %swap3A_842 : vector<1x1x16xf32> to vector<16xf32>
        %swap3A_844 = vector.shape_cast %select_n3A_833 : vector<16xf32> to vector<1x1x16xf32>
        tpu.vector_store %arg7[%swap3A_839, %swap3A_840, %swap3A_841], %swap3A_844 {strides = array<i32>} : memref<2x224x96xf32, #tpu.memory_space<vmem>>, vector<1x1x16xf32>,
        %eq3A_845 = arith.constant 21504 : i32
        %eq3A_846 = vector.broadcast %eq3A_845 : i32 to vector<16xi32>
        %eq3A_847 = arith.cmpi eq, %sub3A_810, %eq3A_846 : vector<16xi32>
        %jit3A_848 = arith.constant 0.000000e+00 : f32
        %broadcast_in_dim3A_849 = vector.broadcast %jit3A_848 : f32 to vector<16xf32>
        %select_n3A_850 = arith.select %eq3A_847, %get3A_794, %broadcast_in_dim3A_849 : vector<16xi1>, vector<16xf32>
        %mul3A_851 = arith.constant 2 : i32
        %mul3A_852 = arith.muli %mul3A_851, %scan3A_431 : i32
        %add3A_853 = arith.constant 0 : i32
        %add3A_854 = arith.addi %mul3A_852, %add3A_853 : i32
        %swap3A_855 = arith.constant 1 : i32
        %swap3A_856 = arith.index_cast %swap3A_855 : i32 to index
        %swap3A_857 = arith.index_cast %add3A_854 : i32 to index
        %swap3A_858 = arith.constant 64 : index
        %swap3A_859 = tpu.vector_load %arg7[%swap3A_856, %swap3A_857, %swap3A_858] {strides = array<i32>} : memref<2x224x96xf32, #tpu.memory_space<vmem>>, vector<1x1x16xf32>,
        %swap3A_860 = vector.shape_cast %swap3A_859 : vector<1x1x16xf32> to vector<16xf32>
        %swap3A_861 = vector.shape_cast %select_n3A_850 : vector<16xf32> to vector<1x1x16xf32>
        tpu.vector_store %arg7[%swap3A_856, %swap3A_857, %swap3A_858], %swap3A_861 {strides = array<i32>} : memref<2x224x96xf32, #tpu.memory_space<vmem>>, vector<1x1x16xf32>,
        %eq3A_862 = arith.constant 21600 : i32
        %eq3A_863 = vector.broadcast %eq3A_862 : i32 to vector<16xi32>
        %eq3A_864 = arith.cmpi eq, %sub3A_810, %eq3A_863 : vector<16xi32>
        %jit3A_865 = arith.constant 0.000000e+00 : f32
        %broadcast_in_dim3A_866 = vector.broadcast %jit3A_865 : f32 to vector<16xf32>
        %select_n3A_867 = arith.select %eq3A_864, %get3A_794, %broadcast_in_dim3A_866 : vector<16xi1>, vector<16xf32>
        %mul3A_868 = arith.constant 2 : i32
        %mul3A_869 = arith.muli %mul3A_868, %scan3A_431 : i32
        %add3A_870 = arith.constant 1 : i32
        %add3A_871 = arith.addi %mul3A_869, %add3A_870 : i32
        %swap3A_872 = arith.constant 1 : i32
        %swap3A_873 = arith.index_cast %swap3A_872 : i32 to index
        %swap3A_874 = arith.index_cast %add3A_871 : i32 to index
        %swap3A_875 = arith.constant 64 : index
        %swap3A_876 = tpu.vector_load %arg7[%swap3A_873, %swap3A_874, %swap3A_875] {strides = array<i32>} : memref<2x224x96xf32, #tpu.memory_space<vmem>>, vector<1x1x16xf32>,
        %swap3A_877 = vector.shape_cast %swap3A_876 : vector<1x1x16xf32> to vector<16xf32>
        %swap3A_878 = vector.shape_cast %select_n3A_867 : vector<16xf32> to vector<1x1x16xf32>
        tpu.vector_store %arg7[%swap3A_873, %swap3A_874, %swap3A_875], %swap3A_878 {strides = array<i32>} : memref<2x224x96xf32, #tpu.memory_space<vmem>>, vector<1x1x16xf32>,
        %get3A_879 = arith.constant 0 : i32
        %get3A_880 = arith.index_cast %get3A_879 : i32 to index
        %get3A_881 = arith.index_cast %scan3A_431 : i32 to index
        %get3A_882 = arith.constant 80 : index
        %get3A_883 = tpu.vector_load %arg5[%get3A_880, %get3A_881, %get3A_882] {strides = array<i32>} : memref<2x112x96xf32, #tpu.memory_space<vmem>>, vector<1x1x16xf32>,
        %get3A_884 = vector.shape_cast %get3A_883 : vector<1x1x16xf32> to vector<16xf32>
        %get3A_885 = arith.constant 0 : i32
        %get3A_886 = arith.index_cast %get3A_885 : i32 to index
        %get3A_887 = arith.index_cast %scan3A_431 : i32 to index
        %get3A_888 = arith.constant 80 : index
        %get3A_889 = tpu.vector_load %arg6[%get3A_886, %get3A_887, %get3A_888] {strides = array<i32>} : memref<2x112x96xi32, #tpu.memory_space<vmem>>, vector<1x1x16xi32>,
        %get3A_890 = vector.shape_cast %get3A_889 : vector<1x1x16xi32> to vector<16xi32>
        %mul3A_891 = arith.constant 2 : i32
        %mul3A_892 = arith.muli %mul3A_891, %scan3A_431 : i32
        %mul3A_893 = arith.constant 96 : i32
        %mul3A_894 = arith.muli %mul3A_892, %mul3A_893 : i32
        %add3A_895 = arith.addi %mul3A_288, %mul3A_894 : i32
        %add3A_896 = arith.constant 80 : i32
        %add3A_897 = arith.addi %add3A_895, %add3A_896 : i32
        %add3A_898 = vector.broadcast %add3A_897 : i32 to vector<16xi32>
        %add3A_899 = arith.addi %add3A_898, %iota3A : vector<16xi32>
        %sub3A_900 = arith.subi %get3A_890, %add3A_899 : vector<16xi32>
        %eq3A_901 = arith.constant 0 : i32
        %eq3A_902 = vector.broadcast %eq3A_901 : i32 to vector<16xi32>
        %eq3A_903 = arith.cmpi eq, %sub3A_900, %eq3A_902 : vector<16xi32>
        %jit3A_904 = arith.constant 0.000000e+00 : f32
        %broadcast_in_dim3A_905 = vector.broadcast %jit3A_904 : f32 to vector<16xf32>
        %select_n3A_906 = arith.select %eq3A_903, %get3A_884, %broadcast_in_dim3A_905 : vector<16xi1>, vector<16xf32>
        %mul3A_907 = arith.constant 2 : i32
        %mul3A_908 = arith.muli %mul3A_907, %scan3A_431 : i32
        %add3A_909 = arith.constant 0 : i32
        %add3A_910 = arith.addi %mul3A_908, %add3A_909 : i32
        %swap3A_911 = arith.constant 0 : i32
        %swap3A_912 = arith.index_cast %swap3A_911 : i32 to index
        %swap3A_913 = arith.index_cast %add3A_910 : i32 to index
        %swap3A_914 = arith.constant 80 : index
        %swap3A_915 = tpu.vector_load %arg7[%swap3A_912, %swap3A_913, %swap3A_914] {strides = array<i32>} : memref<2x224x96xf32, #tpu.memory_space<vmem>>, vector<1x1x16xf32>,
        %swap3A_916 = vector.shape_cast %swap3A_915 : vector<1x1x16xf32> to vector<16xf32>
        %swap3A_917 = vector.shape_cast %select_n3A_906 : vector<16xf32> to vector<1x1x16xf32>
        tpu.vector_store %arg7[%swap3A_912, %swap3A_913, %swap3A_914], %swap3A_917 {strides = array<i32>} : memref<2x224x96xf32, #tpu.memory_space<vmem>>, vector<1x1x16xf32>,
        %eq3A_918 = arith.constant 96 : i32
        %eq3A_919 = vector.broadcast %eq3A_918 : i32 to vector<16xi32>
        %eq3A_920 = arith.cmpi eq, %sub3A_900, %eq3A_919 : vector<16xi32>
        %jit3A_921 = arith.constant 0.000000e+00 : f32
        %broadcast_in_dim3A_922 = vector.broadcast %jit3A_921 : f32 to vector<16xf32>
        %select_n3A_923 = arith.select %eq3A_920, %get3A_884, %broadcast_in_dim3A_922 : vector<16xi1>, vector<16xf32>
        %mul3A_924 = arith.constant 2 : i32
        %mul3A_925 = arith.muli %mul3A_924, %scan3A_431 : i32
        %add3A_926 = arith.constant 1 : i32
        %add3A_927 = arith.addi %mul3A_925, %add3A_926 : i32
        %swap3A_928 = arith.constant 0 : i32
        %swap3A_929 = arith.index_cast %swap3A_928 : i32 to index
        %swap3A_930 = arith.index_cast %add3A_927 : i32 to index
        %swap3A_931 = arith.constant 80 : index
        %swap3A_932 = tpu.vector_load %arg7[%swap3A_929, %swap3A_930, %swap3A_931] {strides = array<i32>} : memref<2x224x96xf32, #tpu.memory_space<vmem>>, vector<1x1x16xf32>,
        %swap3A_933 = vector.shape_cast %swap3A_932 : vector<1x1x16xf32> to vector<16xf32>
        %swap3A_934 = vector.shape_cast %select_n3A_923 : vector<16xf32> to vector<1x1x16xf32>
        tpu.vector_store %arg7[%swap3A_929, %swap3A_930, %swap3A_931], %swap3A_934 {strides = array<i32>} : memref<2x224x96xf32, #tpu.memory_space<vmem>>, vector<1x1x16xf32>,
        %eq3A_935 = arith.constant 21504 : i32
        %eq3A_936 = vector.broadcast %eq3A_935 : i32 to vector<16xi32>
        %eq3A_937 = arith.cmpi eq, %sub3A_900, %eq3A_936 : vector<16xi32>
        %jit3A_938 = arith.constant 0.000000e+00 : f32
        %broadcast_in_dim3A_939 = vector.broadcast %jit3A_938 : f32 to vector<16xf32>
        %select_n3A_940 = arith.select %eq3A_937, %get3A_884, %broadcast_in_dim3A_939 : vector<16xi1>, vector<16xf32>
        %mul3A_941 = arith.constant 2 : i32
        %mul3A_942 = arith.muli %mul3A_941, %scan3A_431 : i32
        %add3A_943 = arith.constant 0 : i32
        %add3A_944 = arith.addi %mul3A_942, %add3A_943 : i32
        %swap3A_945 = arith.constant 1 : i32
        %swap3A_946 = arith.index_cast %swap3A_945 : i32 to index
        %swap3A_947 = arith.index_cast %add3A_944 : i32 to index
        %swap3A_948 = arith.constant 80 : index
        %swap3A_949 = tpu.vector_load %arg7[%swap3A_946, %swap3A_947, %swap3A_948] {strides = array<i32>} : memref<2x224x96xf32, #tpu.memory_space<vmem>>, vector<1x1x16xf32>,
        %swap3A_950 = vector.shape_cast %swap3A_949 : vector<1x1x16xf32> to vector<16xf32>
        %swap3A_951 = vector.shape_cast %select_n3A_940 : vector<16xf32> to vector<1x1x16xf32>
        tpu.vector_store %arg7[%swap3A_946, %swap3A_947, %swap3A_948], %swap3A_951 {strides = array<i32>} : memref<2x224x96xf32, #tpu.memory_space<vmem>>, vector<1x1x16xf32>,
        %eq3A_952 = arith.constant 21600 : i32
        %eq3A_953 = vector.broadcast %eq3A_952 : i32 to vector<16xi32>
        %eq3A_954 = arith.cmpi eq, %sub3A_900, %eq3A_953 : vector<16xi32>
        %jit3A_955 = arith.constant 0.000000e+00 : f32
        %broadcast_in_dim3A_956 = vector.broadcast %jit3A_955 : f32 to vector<16xf32>
        %select_n3A_957 = arith.select %eq3A_954, %get3A_884, %broadcast_in_dim3A_956 : vector<16xi1>, vector<16xf32>
        %mul3A_958 = arith.constant 2 : i32
        %mul3A_959 = arith.muli %mul3A_958, %scan3A_431 : i32
        %add3A_960 = arith.constant 1 : i32
        %add3A_961 = arith.addi %mul3A_959, %add3A_960 : i32
        %swap3A_962 = arith.constant 1 : i32
        %swap3A_963 = arith.index_cast %swap3A_962 : i32 to index
        %swap3A_964 = arith.index_cast %add3A_961 : i32 to index
        %swap3A_965 = arith.constant 80 : index
        %swap3A_966 = tpu.vector_load %arg7[%swap3A_963, %swap3A_964, %swap3A_965] {strides = array<i32>} : memref<2x224x96xf32, #tpu.memory_space<vmem>>, vector<1x1x16xf32>,
        %swap3A_967 = vector.shape_cast %swap3A_966 : vector<1x1x16xf32> to vector<16xf32>
        %swap3A_968 = vector.shape_cast %select_n3A_957 : vector<16xf32> to vector<1x1x16xf32>
        tpu.vector_store %arg7[%swap3A_963, %swap3A_964, %swap3A_965], %swap3A_968 {strides = array<i32>} : memref<2x224x96xf32, #tpu.memory_space<vmem>>, vector<1x1x16xf32>,
      }
      %scan3A_294 = arith.constant 112 : i32
      %mul3A_295 = arith.constant 2 : i32
      %mul3A_296 = arith.muli %mul3A_295, %select_n3A_245 : i32
      %dma_start3A_297 = arith.constant 0 : i32
      %dma_start3A_298 = arith.constant 0 : i32
      %dma_start3A_299 = tpu.memref_slice %arg4[%select_n3A_229, %mul3A_296, %dma_start3A_297, %dma_start3A_298] : memref<8x224x224x96xf32, #tpu.memory_space<hbm>> -> memref<1x2x224x96xf32, #tpu.memory_space<hbm>>
      %dma_start3A_300 = tpu.memref_squeeze %dma_start3A_299 : memref<1x2x224x96xf32, #tpu.memory_space<hbm>> -> memref<2x224x96xf32, #tpu.memory_space<hbm>>
      %dma_start3A_301 = arith.constant 0 : i32
      %dma_start3A_302 = arith.constant 0 : i32
      %dma_start3A_303 = tpu.memref_slice %arg4[%select_n3A_229, %mul3A_296, %dma_start3A_301, %dma_start3A_302] : memref<8x224x224x96xf32, #tpu.memory_space<hbm>> -> memref<1x2x224x96xf32, #tpu.memory_space<hbm>>
      %dma_start3A_304 = tpu.memref_squeeze %dma_start3A_303 : memref<1x2x224x96xf32, #tpu.memory_space<hbm>> -> memref<2x224x96xf32, #tpu.memory_space<hbm>>
      tpu.enqueue_dma source(%arg7 : memref<2x224x96xf32, #tpu.memory_space<vmem>>) target(%dma_start3A_304 : memref<2x224x96xf32, #tpu.memory_space<hbm>>) target_semaphore(%arg12 : memref<!tpu.dma_semaphore, #tpu.memory_space<semaphore_mem>>)
      %add3A_305 = arith.constant 2 : i32
      %add3A_306 = arith.addi %add3A_204, %add3A_305 : i32
      %lt3A_307 = arith.constant 28 : i32
      %lt3A_308 = arith.cmpi slt, %add3A_306, %lt3A_307 : i32
      %convert_element_type3A_309 = arith.extui %lt3A_308 : i1 to i32
      %cond3A_310 = arith.constant 0 : i32
      %cond3A_311 = arith.cmpi ne, %convert_element_type3A_309, %cond3A_310 : i32
      scf.if %cond3A_311 {
        %add3A_431 = arith.constant 2 : i32
        %add3A_432 = arith.addi %add3A_204, %add3A_431 : i32
        %add3A_433 = arith.addi %mul3A_2, %add3A_432 : i32
        %jit3A_434 = arith.constant 112 : i32
        %div3A_435 = arith.divsi %add3A_433, %jit3A_434 : i32
        %sign3A_436 = arith.constant 0 : i32
        %sign3A_437 = arith.cmpi sgt, %add3A_433, %sign3A_436 : i32
        %sign3A_438 = arith.extui %sign3A_437 : i1 to i32
        %sign3A_439 = arith.constant 0 : i32
        %sign3A_440 = arith.cmpi slt, %add3A_433, %sign3A_439 : i32
        %sign3A_441 = arith.extui %sign3A_440 : i1 to i32
        %sign3A_442 = arith.subi %sign3A_438, %sign3A_441 : i32
        %sign3A_443 = arith.constant 0 : i32
        %sign3A_444 = arith.cmpi sgt, %jit3A_434, %sign3A_443 : i32
        %sign3A_445 = arith.extui %sign3A_444 : i1 to i32
        %sign3A_446 = arith.constant 0 : i32
        %sign3A_447 = arith.cmpi slt, %jit3A_434, %sign3A_446 : i32
        %sign3A_448 = arith.extui %sign3A_447 : i1 to i32
        %sign3A_449 = arith.subi %sign3A_445, %sign3A_448 : i32
        %ne3A_450 = arith.cmpi ne, %sign3A_442, %sign3A_449 : i32
        %rem3A_451 = arith.remsi %add3A_433, %jit3A_434 : i32
        %ne3A_452 = arith.constant 0 : i32
        %ne3A_453 = arith.cmpi ne, %rem3A_451, %ne3A_452 : i32
        %and3A_454 = arith.andi %ne3A_450, %ne3A_453 : i1
        %sub3A_455 = arith.constant 1 : i32
        %sub3A_456 = arith.subi %div3A_435, %sub3A_455 : i32
        %select_n3A_457 = arith.select %and3A_454, %sub3A_456, %div3A_435 : i32
        %jit3A_458 = arith.constant 112 : i32
        %eq3A_459 = arith.constant 0 : i32
        %eq3A_460 = arith.cmpi eq, %jit3A_458, %eq3A_459 : i32
        %jit3A_461 = arith.constant 1 : i32
        %select_n3A_462 = arith.select %eq3A_460, %jit3A_461, %jit3A_458 : i32
        %rem3A_463 = arith.remsi %add3A_433, %select_n3A_462 : i32
        %ne3A_464 = arith.constant 0 : i32
        %ne3A_465 = arith.cmpi ne, %rem3A_463, %ne3A_464 : i32
        %lt3A_466 = arith.constant 0 : i32
        %lt3A_467 = arith.cmpi slt, %rem3A_463, %lt3A_466 : i32
        %lt3A_468 = arith.constant 0 : i32
        %lt3A_469 = arith.cmpi slt, %select_n3A_462, %lt3A_468 : i32
        %ne3A_470 = arith.xori %lt3A_467, %lt3A_469 : i1
        %and3A_471 = arith.andi %ne3A_470, %ne3A_465 : i1
        %add3A_472 = arith.addi %rem3A_463, %select_n3A_462 : i32
        %select_n3A_473 = arith.select %and3A_471, %add3A_472, %rem3A_463 : i32
        %dma_start3A_474 = arith.constant 0 : i32
        %dma_start3A_475 = arith.constant 0 : i32
        %dma_start3A_476 = arith.constant 0 : i32
        %dma_start3A_477 = tpu.memref_slice %arg5[%dma_start3A_474, %dma_start3A_475, %dma_start3A_476] : memref<2x112x96xf32, #tpu.memory_space<vmem>> -> memref<1x112x96xf32, #tpu.memory_space<vmem>>
        %dma_start3A_478 = tpu.memref_squeeze %dma_start3A_477 : memref<1x112x96xf32, #tpu.memory_space<vmem>> -> memref<112x96xf32, #tpu.memory_space<vmem>>
        %dma_start3A_479 = arith.constant 0 : i32
        %dma_start3A_480 = arith.constant 0 : i32
        %dma_start3A_481 = tpu.memref_slice %arg2[%select_n3A_457, %select_n3A_473, %dma_start3A_479, %dma_start3A_480] : memref<8x112x112x96xf32, #tpu.memory_space<hbm>> -> memref<1x1x112x96xf32, #tpu.memory_space<hbm>>
        %dma_start3A_482 = tpu.memref_squeeze %dma_start3A_481 : memref<1x1x112x96xf32, #tpu.memory_space<hbm>> -> memref<112x96xf32, #tpu.memory_space<hbm>>
        %dma_start3A_483 = arith.constant 0 : i32
        %dma_start3A_484 = arith.constant 0 : i32
        %dma_start3A_485 = tpu.memref_slice %arg5[%dma_start3A_474, %dma_start3A_483, %dma_start3A_484] : memref<2x112x96xf32, #tpu.memory_space<vmem>> -> memref<1x112x96xf32, #tpu.memory_space<vmem>>
        %dma_start3A_486 = tpu.memref_squeeze %dma_start3A_485 : memref<1x112x96xf32, #tpu.memory_space<vmem>> -> memref<112x96xf32, #tpu.memory_space<vmem>>
        %dma_start3A_487 = arith.constant 0 : i32
        %dma_start3A_488 = arith.constant 0 : i32
        %dma_start3A_489 = tpu.memref_slice %arg2[%select_n3A_457, %select_n3A_473, %dma_start3A_487, %dma_start3A_488] : memref<8x112x112x96xf32, #tpu.memory_space<hbm>> -> memref<1x1x112x96xf32, #tpu.memory_space<hbm>>
        %dma_start3A_490 = tpu.memref_squeeze %dma_start3A_489 : memref<1x1x112x96xf32, #tpu.memory_space<hbm>> -> memref<112x96xf32, #tpu.memory_space<hbm>>
        tpu.enqueue_dma source(%dma_start3A_490 : memref<112x96xf32, #tpu.memory_space<hbm>>) target(%dma_start3A_486 : memref<112x96xf32, #tpu.memory_space<vmem>>) target_semaphore(%arg8 : memref<!tpu.dma_semaphore, #tpu.memory_space<semaphore_mem>>)
        %dma_start3A_491 = arith.constant 0 : i32
        %dma_start3A_492 = arith.constant 0 : i32
        %dma_start3A_493 = arith.constant 0 : i32
        %dma_start3A_494 = tpu.memref_slice %arg6[%dma_start3A_491, %dma_start3A_492, %dma_start3A_493] : memref<2x112x96xi32, #tpu.memory_space<vmem>> -> memref<1x112x96xi32, #tpu.memory_space<vmem>>
        %dma_start3A_495 = tpu.memref_squeeze %dma_start3A_494 : memref<1x112x96xi32, #tpu.memory_space<vmem>> -> memref<112x96xi32, #tpu.memory_space<vmem>>
        %dma_start3A_496 = arith.constant 0 : i32
        %dma_start3A_497 = arith.constant 0 : i32
        %dma_start3A_498 = tpu.memref_slice %arg3[%select_n3A_457, %select_n3A_473, %dma_start3A_496, %dma_start3A_497] : memref<8x112x112x96xi32, #tpu.memory_space<hbm>> -> memref<1x1x112x96xi32, #tpu.memory_space<hbm>>
        %dma_start3A_499 = tpu.memref_squeeze %dma_start3A_498 : memref<1x1x112x96xi32, #tpu.memory_space<hbm>> -> memref<112x96xi32, #tpu.memory_space<hbm>>
        %dma_start3A_500 = arith.constant 0 : i32
        %dma_start3A_501 = arith.constant 0 : i32
        %dma_start3A_502 = tpu.memref_slice %arg6[%dma_start3A_491, %dma_start3A_500, %dma_start3A_501] : memref<2x112x96xi32, #tpu.memory_space<vmem>> -> memref<1x112x96xi32, #tpu.memory_space<vmem>>
        %dma_start3A_503 = tpu.memref_squeeze %dma_start3A_502 : memref<1x112x96xi32, #tpu.memory_space<vmem>> -> memref<112x96xi32, #tpu.memory_space<vmem>>
        %dma_start3A_504 = arith.constant 0 : i32
        %dma_start3A_505 = arith.constant 0 : i32
        %dma_start3A_506 = tpu.memref_slice %arg3[%select_n3A_457, %select_n3A_473, %dma_start3A_504, %dma_start3A_505] : memref<8x112x112x96xi32, #tpu.memory_space<hbm>> -> memref<1x1x112x96xi32, #tpu.memory_space<hbm>>
        %dma_start3A_507 = tpu.memref_squeeze %dma_start3A_506 : memref<1x1x112x96xi32, #tpu.memory_space<hbm>> -> memref<112x96xi32, #tpu.memory_space<hbm>>
        tpu.enqueue_dma source(%dma_start3A_507 : memref<112x96xi32, #tpu.memory_space<hbm>>) target(%dma_start3A_503 : memref<112x96xi32, #tpu.memory_space<vmem>>) target_semaphore(%arg10 : memref<!tpu.dma_semaphore, #tpu.memory_space<semaphore_mem>>)
      } else {
      }
      %mul3A_312 = arith.constant 2 : i32
      %mul3A_313 = arith.muli %mul3A_312, %scan3A_200 : i32
      %add3A_314 = arith.constant 1 : i32
      %add3A_315 = arith.addi %mul3A_313, %add3A_314 : i32
      %add3A_316 = arith.addi %mul3A_2, %add3A_315 : i32
      %jit3A_317 = arith.constant 112 : i32
      %div3A_318 = arith.divsi %add3A_316, %jit3A_317 : i32
      %sign3A_319 = arith.constant 0 : i32
      %sign3A_320 = arith.cmpi sgt, %add3A_316, %sign3A_319 : i32
      %sign3A_321 = arith.extui %sign3A_320 : i1 to i32
      %sign3A_322 = arith.constant 0 : i32
      %sign3A_323 = arith.cmpi slt, %add3A_316, %sign3A_322 : i32
      %sign3A_324 = arith.extui %sign3A_323 : i1 to i32
      %sign3A_325 = arith.subi %sign3A_321, %sign3A_324 : i32
      %sign3A_326 = arith.constant 0 : i32
      %sign3A_327 = arith.cmpi sgt, %jit3A_317, %sign3A_326 : i32
      %sign3A_328 = arith.extui %sign3A_327 : i1 to i32
      %sign3A_329 = arith.constant 0 : i32
      %sign3A_330 = arith.cmpi slt, %jit3A_317, %sign3A_329 : i32
      %sign3A_331 = arith.extui %sign3A_330 : i1 to i32
      %sign3A_332 = arith.subi %sign3A_328, %sign3A_331 : i32
      %ne3A_333 = arith.cmpi ne, %sign3A_325, %sign3A_332 : i32
      %rem3A_334 = arith.remsi %add3A_316, %jit3A_317 : i32
      %ne3A_335 = arith.constant 0 : i32
      %ne3A_336 = arith.cmpi ne, %rem3A_334, %ne3A_335 : i32
      %and3A_337 = arith.andi %ne3A_333, %ne3A_336 : i1
      %sub3A_338 = arith.constant 1 : i32
      %sub3A_339 = arith.subi %div3A_318, %sub3A_338 : i32
      %select_n3A_340 = arith.select %and3A_337, %sub3A_339, %div3A_318 : i32
      %jit3A_341 = arith.constant 112 : i32
      %eq3A_342 = arith.constant 0 : i32
      %eq3A_343 = arith.cmpi eq, %jit3A_341, %eq3A_342 : i32
      %jit3A_344 = arith.constant 1 : i32
      %select_n3A_345 = arith.select %eq3A_343, %jit3A_344, %jit3A_341 : i32
      %rem3A_346 = arith.remsi %add3A_316, %select_n3A_345 : i32
      %ne3A_347 = arith.constant 0 : i32
      %ne3A_348 = arith.cmpi ne, %rem3A_346, %ne3A_347 : i32
      %lt3A_349 = arith.constant 0 : i32
      %lt3A_350 = arith.cmpi slt, %rem3A_346, %lt3A_349 : i32
      %lt3A_351 = arith.constant 0 : i32
      %lt3A_352 = arith.cmpi slt, %select_n3A_345, %lt3A_351 : i32
      %ne3A_353 = arith.xori %lt3A_350, %lt3A_352 : i1
      %and3A_354 = arith.andi %ne3A_353, %ne3A_348 : i1
      %add3A_355 = arith.addi %rem3A_346, %select_n3A_345 : i32
      %select_n3A_356 = arith.select %and3A_354, %add3A_355, %rem3A_346 : i32
      %dma_wait3A_357 = arith.constant 1 : i32
      %dma_wait3A_358 = arith.constant 0 : i32
      %dma_wait3A_359 = arith.constant 0 : i32
      %dma_wait3A_360 = tpu.memref_slice %arg5[%dma_wait3A_357, %dma_wait3A_358, %dma_wait3A_359] : memref<2x112x96xf32, #tpu.memory_space<vmem>> -> memref<1x112x96xf32, #tpu.memory_space<vmem>>
      %dma_wait3A_361 = tpu.memref_squeeze %dma_wait3A_360 : memref<1x112x96xf32, #tpu.memory_space<vmem>> -> memref<112x96xf32, #tpu.memory_space<vmem>>
      %dma_wait3A_362 = arith.constant 0 : i32
      %dma_wait3A_363 = arith.constant 0 : i32
      %dma_wait3A_364 = tpu.memref_slice %arg2[%select_n3A_340, %select_n3A_356, %dma_wait3A_362, %dma_wait3A_363] : memref<8x112x112x96xf32, #tpu.memory_space<hbm>> -> memref<1x1x112x96xf32, #tpu.memory_space<hbm>>
      %dma_wait3A_365 = tpu.memref_squeeze %dma_wait3A_364 : memref<1x1x112x96xf32, #tpu.memory_space<hbm>> -> memref<112x96xf32, #tpu.memory_space<hbm>>
      %dma_wait3A_366 = arith.constant 0 : i32
      %dma_wait3A_367 = arith.constant 0 : i32
      %dma_wait3A_368 = tpu.memref_slice %arg5[%dma_wait3A_357, %dma_wait3A_366, %dma_wait3A_367] : memref<2x112x96xf32, #tpu.memory_space<vmem>> -> memref<1x112x96xf32, #tpu.memory_space<vmem>>
      %dma_wait3A_369 = tpu.memref_squeeze %dma_wait3A_368 : memref<1x112x96xf32, #tpu.memory_space<vmem>> -> memref<112x96xf32, #tpu.memory_space<vmem>>
      %dma_wait3A_370 = arith.constant 0 : i32
      %dma_wait3A_371 = arith.constant 0 : i32
      %dma_wait3A_372 = tpu.memref_slice %arg2[%select_n3A_340, %select_n3A_356, %dma_wait3A_370, %dma_wait3A_371] : memref<8x112x112x96xf32, #tpu.memory_space<hbm>> -> memref<1x1x112x96xf32, #tpu.memory_space<hbm>>
      %dma_wait3A_373 = tpu.memref_squeeze %dma_wait3A_372 : memref<1x1x112x96xf32, #tpu.memory_space<hbm>> -> memref<112x96xf32, #tpu.memory_space<hbm>>
      tpu.wait_dma2 semaphore(%arg9 : memref<!tpu.dma_semaphore, #tpu.memory_space<semaphore_mem>>) src(%dma_wait3A_373 : memref<112x96xf32, #tpu.memory_space<hbm>>) dst(%dma_wait3A_369 : memref<112x96xf32, #tpu.memory_space<vmem>>)
      %dma_wait3A_374 = arith.constant 1 : i32
      %dma_wait3A_375 = arith.constant 0 : i32
      %dma_wait3A_376 = arith.constant 0 : i32
      %dma_wait3A_377 = tpu.memref_slice %arg6[%dma_wait3A_374, %dma_wait3A_375, %dma_wait3A_376] : memref<2x112x96xi32, #tpu.memory_space<vmem>> -> memref<1x112x96xi32, #tpu.memory_space<vmem>>
      %dma_wait3A_378 = tpu.memref_squeeze %dma_wait3A_377 : memref<1x112x96xi32, #tpu.memory_space<vmem>> -> memref<112x96xi32, #tpu.memory_space<vmem>>
      %dma_wait3A_379 = arith.constant 0 : i32
      %dma_wait3A_380 = arith.constant 0 : i32
      %dma_wait3A_381 = tpu.memref_slice %arg3[%select_n3A_340, %select_n3A_356, %dma_wait3A_379, %dma_wait3A_380] : memref<8x112x112x96xi32, #tpu.memory_space<hbm>> -> memref<1x1x112x96xi32, #tpu.memory_space<hbm>>
      %dma_wait3A_382 = tpu.memref_squeeze %dma_wait3A_381 : memref<1x1x112x96xi32, #tpu.memory_space<hbm>> -> memref<112x96xi32, #tpu.memory_space<hbm>>
      %dma_wait3A_383 = arith.constant 0 : i32
      %dma_wait3A_384 = arith.constant 0 : i32
      %dma_wait3A_385 = tpu.memref_slice %arg6[%dma_wait3A_374, %dma_wait3A_383, %dma_wait3A_384] : memref<2x112x96xi32, #tpu.memory_space<vmem>> -> memref<1x112x96xi32, #tpu.memory_space<vmem>>
      %dma_wait3A_386 = tpu.memref_squeeze %dma_wait3A_385 : memref<1x112x96xi32, #tpu.memory_space<vmem>> -> memref<112x96xi32, #tpu.memory_space<vmem>>
      %dma_wait3A_387 = arith.constant 0 : i32
      %dma_wait3A_388 = arith.constant 0 : i32
      %dma_wait3A_389 = tpu.memref_slice %arg3[%select_n3A_340, %select_n3A_356, %dma_wait3A_387, %dma_wait3A_388] : memref<8x112x112x96xi32, #tpu.memory_space<hbm>> -> memref<1x1x112x96xi32, #tpu.memory_space<hbm>>
      %dma_wait3A_390 = tpu.memref_squeeze %dma_wait3A_389 : memref<1x1x112x96xi32, #tpu.memory_space<hbm>> -> memref<112x96xi32, #tpu.memory_space<hbm>>
      tpu.wait_dma2 semaphore(%arg11 : memref<!tpu.dma_semaphore, #tpu.memory_space<semaphore_mem>>) src(%dma_wait3A_390 : memref<112x96xi32, #tpu.memory_space<hbm>>) dst(%dma_wait3A_386 : memref<112x96xi32, #tpu.memory_space<vmem>>)
      %mul3A_391 = arith.constant 2 : i32
      %mul3A_392 = arith.muli %mul3A_391, %select_n3A_356 : i32
      %dma_wait3A_393 = arith.constant 0 : i32
      %dma_wait3A_394 = arith.constant 0 : i32
      %dma_wait3A_395 = tpu.memref_slice %arg4[%select_n3A_340, %mul3A_392, %dma_wait3A_393, %dma_wait3A_394] : memref<8x224x224x96xf32, #tpu.memory_space<hbm>> -> memref<1x2x224x96xf32, #tpu.memory_space<hbm>>
      %dma_wait3A_396 = tpu.memref_squeeze %dma_wait3A_395 : memref<1x2x224x96xf32, #tpu.memory_space<hbm>> -> memref<2x224x96xf32, #tpu.memory_space<hbm>>
      %dma_wait3A_397 = arith.constant 0 : i32
      %dma_wait3A_398 = arith.constant 0 : i32
      %dma_wait3A_399 = tpu.memref_slice %arg4[%select_n3A_340, %mul3A_392, %dma_wait3A_397, %dma_wait3A_398] : memref<8x224x224x96xf32, #tpu.memory_space<hbm>> -> memref<1x2x224x96xf32, #tpu.memory_space<hbm>>
      %dma_wait3A_400 = tpu.memref_squeeze %dma_wait3A_399 : memref<1x2x224x96xf32, #tpu.memory_space<hbm>> -> memref<2x224x96xf32, #tpu.memory_space<hbm>>
      tpu.wait_dma2 semaphore(%arg12 : memref<!tpu.dma_semaphore, #tpu.memory_space<semaphore_mem>>) src(%arg7 : memref<2x224x96xf32, #tpu.memory_space<vmem>>) dst(%dma_wait3A_400 : memref<2x224x96xf32, #tpu.memory_space<hbm>>)
      %mul3A_401 = arith.constant 224 : i32
      %mul3A_402 = arith.muli %select_n3A_340, %mul3A_401 : i32
      %mul3A_403 = arith.constant 2 : i32
      %mul3A_404 = arith.muli %mul3A_403, %select_n3A_356 : i32
      %add3A_405 = arith.addi %mul3A_402, %mul3A_404 : i32
      %mul3A_406 = arith.constant 21504 : i32
      %mul3A_407 = arith.muli %add3A_405, %mul3A_406 : i32
      %scan3A_408 = arith.constant 0 : i32
      %scan3A_409 = arith.constant 0 : i32
      %scan3A_410 = arith.constant 112 : i32
      %scan3A_411 = arith.addi %scan3A_409, %scan3A_410 : i32
      %scan3A_412 = arith.constant 1 : i32
      scf.for %scan3A_431 = %scan3A_409 to %scan3A_411 step %scan3A_412  : i32 {
        %get3A = arith.constant 1 : i32
        %get3A_432 = arith.index_cast %get3A : i32 to index
        %get3A_433 = arith.index_cast %scan3A_431 : i32 to index
        %get3A_434 = arith.constant 0 : index
        %get3A_435 = tpu.vector_load %arg5[%get3A_432, %get3A_433, %get3A_434] {strides = array<i32>} : memref<2x112x96xf32, #tpu.memory_space<vmem>>, vector<1x1x16xf32>,
        %get3A_436 = vector.shape_cast %get3A_435 : vector<1x1x16xf32> to vector<16xf32>
        %get3A_437 = arith.constant 1 : i32
        %get3A_438 = arith.index_cast %get3A_437 : i32 to index
        %get3A_439 = arith.index_cast %scan3A_431 : i32 to index
        %get3A_440 = arith.constant 0 : index
        %get3A_441 = tpu.vector_load %arg6[%get3A_438, %get3A_439, %get3A_440] {strides = array<i32>} : memref<2x112x96xi32, #tpu.memory_space<vmem>>, vector<1x1x16xi32>,
        %get3A_442 = vector.shape_cast %get3A_441 : vector<1x1x16xi32> to vector<16xi32>
        %mul3A_443 = arith.constant 2 : i32
        %mul3A_444 = arith.muli %mul3A_443, %scan3A_431 : i32
        %mul3A_445 = arith.constant 96 : i32
        %mul3A_446 = arith.muli %mul3A_444, %mul3A_445 : i32
        %add3A_447 = arith.addi %mul3A_407, %mul3A_446 : i32
        %add3A_448 = arith.constant 0 : i32
        %add3A_449 = arith.addi %add3A_447, %add3A_448 : i32
        %add3A_450 = vector.broadcast %add3A_449 : i32 to vector<16xi32>
        %add3A_451 = arith.addi %add3A_450, %iota3A : vector<16xi32>
        %sub3A_452 = arith.subi %get3A_442, %add3A_451 : vector<16xi32>
        %eq3A_453 = arith.constant 0 : i32
        %eq3A_454 = vector.broadcast %eq3A_453 : i32 to vector<16xi32>
        %eq3A_455 = arith.cmpi eq, %sub3A_452, %eq3A_454 : vector<16xi32>
        %jit3A_456 = arith.constant 0.000000e+00 : f32
        %broadcast_in_dim3A = vector.broadcast %jit3A_456 : f32 to vector<16xf32>
        %select_n3A_457 = arith.select %eq3A_455, %get3A_436, %broadcast_in_dim3A : vector<16xi1>, vector<16xf32>
        %mul3A_458 = arith.constant 2 : i32
        %mul3A_459 = arith.muli %mul3A_458, %scan3A_431 : i32
        %add3A_460 = arith.constant 0 : i32
        %add3A_461 = arith.addi %mul3A_459, %add3A_460 : i32
        %swap3A = arith.constant 0 : i32
        %swap3A_462 = arith.index_cast %swap3A : i32 to index
        %swap3A_463 = arith.index_cast %add3A_461 : i32 to index
        %swap3A_464 = arith.constant 0 : index
        %swap3A_465 = tpu.vector_load %arg7[%swap3A_462, %swap3A_463, %swap3A_464] {strides = array<i32>} : memref<2x224x96xf32, #tpu.memory_space<vmem>>, vector<1x1x16xf32>,
        %swap3A_466 = vector.shape_cast %swap3A_465 : vector<1x1x16xf32> to vector<16xf32>
        %swap3A_467 = vector.shape_cast %select_n3A_457 : vector<16xf32> to vector<1x1x16xf32>
        tpu.vector_store %arg7[%swap3A_462, %swap3A_463, %swap3A_464], %swap3A_467 {strides = array<i32>} : memref<2x224x96xf32, #tpu.memory_space<vmem>>, vector<1x1x16xf32>,
        %eq3A_468 = arith.constant 96 : i32
        %eq3A_469 = vector.broadcast %eq3A_468 : i32 to vector<16xi32>
        %eq3A_470 = arith.cmpi eq, %sub3A_452, %eq3A_469 : vector<16xi32>
        %jit3A_471 = arith.constant 0.000000e+00 : f32
        %broadcast_in_dim3A_472 = vector.broadcast %jit3A_471 : f32 to vector<16xf32>
        %select_n3A_473 = arith.select %eq3A_470, %get3A_436, %broadcast_in_dim3A_472 : vector<16xi1>, vector<16xf32>
        %mul3A_474 = arith.constant 2 : i32
        %mul3A_475 = arith.muli %mul3A_474, %scan3A_431 : i32
        %add3A_476 = arith.constant 1 : i32
        %add3A_477 = arith.addi %mul3A_475, %add3A_476 : i32
        %swap3A_478 = arith.constant 0 : i32
        %swap3A_479 = arith.index_cast %swap3A_478 : i32 to index
        %swap3A_480 = arith.index_cast %add3A_477 : i32 to index
        %swap3A_481 = arith.constant 0 : index
        %swap3A_482 = tpu.vector_load %arg7[%swap3A_479, %swap3A_480, %swap3A_481] {strides = array<i32>} : memref<2x224x96xf32, #tpu.memory_space<vmem>>, vector<1x1x16xf32>,
        %swap3A_483 = vector.shape_cast %swap3A_482 : vector<1x1x16xf32> to vector<16xf32>
        %swap3A_484 = vector.shape_cast %select_n3A_473 : vector<16xf32> to vector<1x1x16xf32>
        tpu.vector_store %arg7[%swap3A_479, %swap3A_480, %swap3A_481], %swap3A_484 {strides = array<i32>} : memref<2x224x96xf32, #tpu.memory_space<vmem>>, vector<1x1x16xf32>,
        %eq3A_485 = arith.constant 21504 : i32
        %eq3A_486 = vector.broadcast %eq3A_485 : i32 to vector<16xi32>
        %eq3A_487 = arith.cmpi eq, %sub3A_452, %eq3A_486 : vector<16xi32>
        %jit3A_488 = arith.constant 0.000000e+00 : f32
        %broadcast_in_dim3A_489 = vector.broadcast %jit3A_488 : f32 to vector<16xf32>
        %select_n3A_490 = arith.select %eq3A_487, %get3A_436, %broadcast_in_dim3A_489 : vector<16xi1>, vector<16xf32>
        %mul3A_491 = arith.constant 2 : i32
        %mul3A_492 = arith.muli %mul3A_491, %scan3A_431 : i32
        %add3A_493 = arith.constant 0 : i32
        %add3A_494 = arith.addi %mul3A_492, %add3A_493 : i32
        %swap3A_495 = arith.constant 1 : i32
        %swap3A_496 = arith.index_cast %swap3A_495 : i32 to index
        %swap3A_497 = arith.index_cast %add3A_494 : i32 to index
        %swap3A_498 = arith.constant 0 : index
        %swap3A_499 = tpu.vector_load %arg7[%swap3A_496, %swap3A_497, %swap3A_498] {strides = array<i32>} : memref<2x224x96xf32, #tpu.memory_space<vmem>>, vector<1x1x16xf32>,
        %swap3A_500 = vector.shape_cast %swap3A_499 : vector<1x1x16xf32> to vector<16xf32>
        %swap3A_501 = vector.shape_cast %select_n3A_490 : vector<16xf32> to vector<1x1x16xf32>
        tpu.vector_store %arg7[%swap3A_496, %swap3A_497, %swap3A_498], %swap3A_501 {strides = array<i32>} : memref<2x224x96xf32, #tpu.memory_space<vmem>>, vector<1x1x16xf32>,
        %eq3A_502 = arith.constant 21600 : i32
        %eq3A_503 = vector.broadcast %eq3A_502 : i32 to vector<16xi32>
        %eq3A_504 = arith.cmpi eq, %sub3A_452, %eq3A_503 : vector<16xi32>
        %jit3A_505 = arith.constant 0.000000e+00 : f32
        %broadcast_in_dim3A_506 = vector.broadcast %jit3A_505 : f32 to vector<16xf32>
        %select_n3A_507 = arith.select %eq3A_504, %get3A_436, %broadcast_in_dim3A_506 : vector<16xi1>, vector<16xf32>
        %mul3A_508 = arith.constant 2 : i32
        %mul3A_509 = arith.muli %mul3A_508, %scan3A_431 : i32
        %add3A_510 = arith.constant 1 : i32
        %add3A_511 = arith.addi %mul3A_509, %add3A_510 : i32
        %swap3A_512 = arith.constant 1 : i32
        %swap3A_513 = arith.index_cast %swap3A_512 : i32 to index
        %swap3A_514 = arith.index_cast %add3A_511 : i32 to index
        %swap3A_515 = arith.constant 0 : index
        %swap3A_516 = tpu.vector_load %arg7[%swap3A_513, %swap3A_514, %swap3A_515] {strides = array<i32>} : memref<2x224x96xf32, #tpu.memory_space<vmem>>, vector<1x1x16xf32>,
        %swap3A_517 = vector.shape_cast %swap3A_516 : vector<1x1x16xf32> to vector<16xf32>
        %swap3A_518 = vector.shape_cast %select_n3A_507 : vector<16xf32> to vector<1x1x16xf32>
        tpu.vector_store %arg7[%swap3A_513, %swap3A_514, %swap3A_515], %swap3A_518 {strides = array<i32>} : memref<2x224x96xf32, #tpu.memory_space<vmem>>, vector<1x1x16xf32>,
        %get3A_519 = arith.constant 1 : i32
        %get3A_520 = arith.index_cast %get3A_519 : i32 to index
        %get3A_521 = arith.index_cast %scan3A_431 : i32 to index
        %get3A_522 = arith.constant 16 : index
        %get3A_523 = tpu.vector_load %arg5[%get3A_520, %get3A_521, %get3A_522] {strides = array<i32>} : memref<2x112x96xf32, #tpu.memory_space<vmem>>, vector<1x1x16xf32>,
        %get3A_524 = vector.shape_cast %get3A_523 : vector<1x1x16xf32> to vector<16xf32>
        %get3A_525 = arith.constant 1 : i32
        %get3A_526 = arith.index_cast %get3A_525 : i32 to index
        %get3A_527 = arith.index_cast %scan3A_431 : i32 to index
        %get3A_528 = arith.constant 16 : index
        %get3A_529 = tpu.vector_load %arg6[%get3A_526, %get3A_527, %get3A_528] {strides = array<i32>} : memref<2x112x96xi32, #tpu.memory_space<vmem>>, vector<1x1x16xi32>,
        %get3A_530 = vector.shape_cast %get3A_529 : vector<1x1x16xi32> to vector<16xi32>
        %mul3A_531 = arith.constant 2 : i32
        %mul3A_532 = arith.muli %mul3A_531, %scan3A_431 : i32
        %mul3A_533 = arith.constant 96 : i32
        %mul3A_534 = arith.muli %mul3A_532, %mul3A_533 : i32
        %add3A_535 = arith.addi %mul3A_407, %mul3A_534 : i32
        %add3A_536 = arith.constant 16 : i32
        %add3A_537 = arith.addi %add3A_535, %add3A_536 : i32
        %add3A_538 = vector.broadcast %add3A_537 : i32 to vector<16xi32>
        %add3A_539 = arith.addi %add3A_538, %iota3A : vector<16xi32>
        %sub3A_540 = arith.subi %get3A_530, %add3A_539 : vector<16xi32>
        %eq3A_541 = arith.constant 0 : i32
        %eq3A_542 = vector.broadcast %eq3A_541 : i32 to vector<16xi32>
        %eq3A_543 = arith.cmpi eq, %sub3A_540, %eq3A_542 : vector<16xi32>
        %jit3A_544 = arith.constant 0.000000e+00 : f32
        %broadcast_in_dim3A_545 = vector.broadcast %jit3A_544 : f32 to vector<16xf32>
        %select_n3A_546 = arith.select %eq3A_543, %get3A_524, %broadcast_in_dim3A_545 : vector<16xi1>, vector<16xf32>
        %mul3A_547 = arith.constant 2 : i32
        %mul3A_548 = arith.muli %mul3A_547, %scan3A_431 : i32
        %add3A_549 = arith.constant 0 : i32
        %add3A_550 = arith.addi %mul3A_548, %add3A_549 : i32
        %swap3A_551 = arith.constant 0 : i32
        %swap3A_552 = arith.index_cast %swap3A_551 : i32 to index
        %swap3A_553 = arith.index_cast %add3A_550 : i32 to index
        %swap3A_554 = arith.constant 16 : index
        %swap3A_555 = tpu.vector_load %arg7[%swap3A_552, %swap3A_553, %swap3A_554] {strides = array<i32>} : memref<2x224x96xf32, #tpu.memory_space<vmem>>, vector<1x1x16xf32>,
        %swap3A_556 = vector.shape_cast %swap3A_555 : vector<1x1x16xf32> to vector<16xf32>
        %swap3A_557 = vector.shape_cast %select_n3A_546 : vector<16xf32> to vector<1x1x16xf32>
        tpu.vector_store %arg7[%swap3A_552, %swap3A_553, %swap3A_554], %swap3A_557 {strides = array<i32>} : memref<2x224x96xf32, #tpu.memory_space<vmem>>, vector<1x1x16xf32>,
        %eq3A_558 = arith.constant 96 : i32
        %eq3A_559 = vector.broadcast %eq3A_558 : i32 to vector<16xi32>
        %eq3A_560 = arith.cmpi eq, %sub3A_540, %eq3A_559 : vector<16xi32>
        %jit3A_561 = arith.constant 0.000000e+00 : f32
        %broadcast_in_dim3A_562 = vector.broadcast %jit3A_561 : f32 to vector<16xf32>
        %select_n3A_563 = arith.select %eq3A_560, %get3A_524, %broadcast_in_dim3A_562 : vector<16xi1>, vector<16xf32>
        %mul3A_564 = arith.constant 2 : i32
        %mul3A_565 = arith.muli %mul3A_564, %scan3A_431 : i32
        %add3A_566 = arith.constant 1 : i32
        %add3A_567 = arith.addi %mul3A_565, %add3A_566 : i32
        %swap3A_568 = arith.constant 0 : i32
        %swap3A_569 = arith.index_cast %swap3A_568 : i32 to index
        %swap3A_570 = arith.index_cast %add3A_567 : i32 to index
        %swap3A_571 = arith.constant 16 : index
        %swap3A_572 = tpu.vector_load %arg7[%swap3A_569, %swap3A_570, %swap3A_571] {strides = array<i32>} : memref<2x224x96xf32, #tpu.memory_space<vmem>>, vector<1x1x16xf32>,
        %swap3A_573 = vector.shape_cast %swap3A_572 : vector<1x1x16xf32> to vector<16xf32>
        %swap3A_574 = vector.shape_cast %select_n3A_563 : vector<16xf32> to vector<1x1x16xf32>
        tpu.vector_store %arg7[%swap3A_569, %swap3A_570, %swap3A_571], %swap3A_574 {strides = array<i32>} : memref<2x224x96xf32, #tpu.memory_space<vmem>>, vector<1x1x16xf32>,
        %eq3A_575 = arith.constant 21504 : i32
        %eq3A_576 = vector.broadcast %eq3A_575 : i32 to vector<16xi32>
        %eq3A_577 = arith.cmpi eq, %sub3A_540, %eq3A_576 : vector<16xi32>
        %jit3A_578 = arith.constant 0.000000e+00 : f32
        %broadcast_in_dim3A_579 = vector.broadcast %jit3A_578 : f32 to vector<16xf32>
        %select_n3A_580 = arith.select %eq3A_577, %get3A_524, %broadcast_in_dim3A_579 : vector<16xi1>, vector<16xf32>
        %mul3A_581 = arith.constant 2 : i32
        %mul3A_582 = arith.muli %mul3A_581, %scan3A_431 : i32
        %add3A_583 = arith.constant 0 : i32
        %add3A_584 = arith.addi %mul3A_582, %add3A_583 : i32
        %swap3A_585 = arith.constant 1 : i32
        %swap3A_586 = arith.index_cast %swap3A_585 : i32 to index
        %swap3A_587 = arith.index_cast %add3A_584 : i32 to index
        %swap3A_588 = arith.constant 16 : index
        %swap3A_589 = tpu.vector_load %arg7[%swap3A_586, %swap3A_587, %swap3A_588] {strides = array<i32>} : memref<2x224x96xf32, #tpu.memory_space<vmem>>, vector<1x1x16xf32>,
        %swap3A_590 = vector.shape_cast %swap3A_589 : vector<1x1x16xf32> to vector<16xf32>
        %swap3A_591 = vector.shape_cast %select_n3A_580 : vector<16xf32> to vector<1x1x16xf32>
        tpu.vector_store %arg7[%swap3A_586, %swap3A_587, %swap3A_588], %swap3A_591 {strides = array<i32>} : memref<2x224x96xf32, #tpu.memory_space<vmem>>, vector<1x1x16xf32>,
        %eq3A_592 = arith.constant 21600 : i32
        %eq3A_593 = vector.broadcast %eq3A_592 : i32 to vector<16xi32>
        %eq3A_594 = arith.cmpi eq, %sub3A_540, %eq3A_593 : vector<16xi32>
        %jit3A_595 = arith.constant 0.000000e+00 : f32
        %broadcast_in_dim3A_596 = vector.broadcast %jit3A_595 : f32 to vector<16xf32>
        %select_n3A_597 = arith.select %eq3A_594, %get3A_524, %broadcast_in_dim3A_596 : vector<16xi1>, vector<16xf32>
        %mul3A_598 = arith.constant 2 : i32
        %mul3A_599 = arith.muli %mul3A_598, %scan3A_431 : i32
        %add3A_600 = arith.constant 1 : i32
        %add3A_601 = arith.addi %mul3A_599, %add3A_600 : i32
        %swap3A_602 = arith.constant 1 : i32
        %swap3A_603 = arith.index_cast %swap3A_602 : i32 to index
        %swap3A_604 = arith.index_cast %add3A_601 : i32 to index
        %swap3A_605 = arith.constant 16 : index
        %swap3A_606 = tpu.vector_load %arg7[%swap3A_603, %swap3A_604, %swap3A_605] {strides = array<i32>} : memref<2x224x96xf32, #tpu.memory_space<vmem>>, vector<1x1x16xf32>,
        %swap3A_607 = vector.shape_cast %swap3A_606 : vector<1x1x16xf32> to vector<16xf32>
        %swap3A_608 = vector.shape_cast %select_n3A_597 : vector<16xf32> to vector<1x1x16xf32>
        tpu.vector_store %arg7[%swap3A_603, %swap3A_604, %swap3A_605], %swap3A_608 {strides = array<i32>} : memref<2x224x96xf32, #tpu.memory_space<vmem>>, vector<1x1x16xf32>,
        %get3A_609 = arith.constant 1 : i32
        %get3A_610 = arith.index_cast %get3A_609 : i32 to index
        %get3A_611 = arith.index_cast %scan3A_431 : i32 to index
        %get3A_612 = arith.constant 32 : index
        %get3A_613 = tpu.vector_load %arg5[%get3A_610, %get3A_611, %get3A_612] {strides = array<i32>} : memref<2x112x96xf32, #tpu.memory_space<vmem>>, vector<1x1x16xf32>,
        %get3A_614 = vector.shape_cast %get3A_613 : vector<1x1x16xf32> to vector<16xf32>
        %get3A_615 = arith.constant 1 : i32
        %get3A_616 = arith.index_cast %get3A_615 : i32 to index
        %get3A_617 = arith.index_cast %scan3A_431 : i32 to index
        %get3A_618 = arith.constant 32 : index
        %get3A_619 = tpu.vector_load %arg6[%get3A_616, %get3A_617, %get3A_618] {strides = array<i32>} : memref<2x112x96xi32, #tpu.memory_space<vmem>>, vector<1x1x16xi32>,
        %get3A_620 = vector.shape_cast %get3A_619 : vector<1x1x16xi32> to vector<16xi32>
        %mul3A_621 = arith.constant 2 : i32
        %mul3A_622 = arith.muli %mul3A_621, %scan3A_431 : i32
        %mul3A_623 = arith.constant 96 : i32
        %mul3A_624 = arith.muli %mul3A_622, %mul3A_623 : i32
        %add3A_625 = arith.addi %mul3A_407, %mul3A_624 : i32
        %add3A_626 = arith.constant 32 : i32
        %add3A_627 = arith.addi %add3A_625, %add3A_626 : i32
        %add3A_628 = vector.broadcast %add3A_627 : i32 to vector<16xi32>
        %add3A_629 = arith.addi %add3A_628, %iota3A : vector<16xi32>
        %sub3A_630 = arith.subi %get3A_620, %add3A_629 : vector<16xi32>
        %eq3A_631 = arith.constant 0 : i32
        %eq3A_632 = vector.broadcast %eq3A_631 : i32 to vector<16xi32>
        %eq3A_633 = arith.cmpi eq, %sub3A_630, %eq3A_632 : vector<16xi32>
        %jit3A_634 = arith.constant 0.000000e+00 : f32
        %broadcast_in_dim3A_635 = vector.broadcast %jit3A_634 : f32 to vector<16xf32>
        %select_n3A_636 = arith.select %eq3A_633, %get3A_614, %broadcast_in_dim3A_635 : vector<16xi1>, vector<16xf32>
        %mul3A_637 = arith.constant 2 : i32
        %mul3A_638 = arith.muli %mul3A_637, %scan3A_431 : i32
        %add3A_639 = arith.constant 0 : i32
        %add3A_640 = arith.addi %mul3A_638, %add3A_639 : i32
        %swap3A_641 = arith.constant 0 : i32
        %swap3A_642 = arith.index_cast %swap3A_641 : i32 to index
        %swap3A_643 = arith.index_cast %add3A_640 : i32 to index
        %swap3A_644 = arith.constant 32 : index
        %swap3A_645 = tpu.vector_load %arg7[%swap3A_642, %swap3A_643, %swap3A_644] {strides = array<i32>} : memref<2x224x96xf32, #tpu.memory_space<vmem>>, vector<1x1x16xf32>,
        %swap3A_646 = vector.shape_cast %swap3A_645 : vector<1x1x16xf32> to vector<16xf32>
        %swap3A_647 = vector.shape_cast %select_n3A_636 : vector<16xf32> to vector<1x1x16xf32>
        tpu.vector_store %arg7[%swap3A_642, %swap3A_643, %swap3A_644], %swap3A_647 {strides = array<i32>} : memref<2x224x96xf32, #tpu.memory_space<vmem>>, vector<1x1x16xf32>,
        %eq3A_648 = arith.constant 96 : i32
        %eq3A_649 = vector.broadcast %eq3A_648 : i32 to vector<16xi32>
        %eq3A_650 = arith.cmpi eq, %sub3A_630, %eq3A_649 : vector<16xi32>
        %jit3A_651 = arith.constant 0.000000e+00 : f32
        %broadcast_in_dim3A_652 = vector.broadcast %jit3A_651 : f32 to vector<16xf32>
        %select_n3A_653 = arith.select %eq3A_650, %get3A_614, %broadcast_in_dim3A_652 : vector<16xi1>, vector<16xf32>
        %mul3A_654 = arith.constant 2 : i32
        %mul3A_655 = arith.muli %mul3A_654, %scan3A_431 : i32
        %add3A_656 = arith.constant 1 : i32
        %add3A_657 = arith.addi %mul3A_655, %add3A_656 : i32
        %swap3A_658 = arith.constant 0 : i32
        %swap3A_659 = arith.index_cast %swap3A_658 : i32 to index
        %swap3A_660 = arith.index_cast %add3A_657 : i32 to index
        %swap3A_661 = arith.constant 32 : index
        %swap3A_662 = tpu.vector_load %arg7[%swap3A_659, %swap3A_660, %swap3A_661] {strides = array<i32>} : memref<2x224x96xf32, #tpu.memory_space<vmem>>, vector<1x1x16xf32>,
        %swap3A_663 = vector.shape_cast %swap3A_662 : vector<1x1x16xf32> to vector<16xf32>
        %swap3A_664 = vector.shape_cast %select_n3A_653 : vector<16xf32> to vector<1x1x16xf32>
        tpu.vector_store %arg7[%swap3A_659, %swap3A_660, %swap3A_661], %swap3A_664 {strides = array<i32>} : memref<2x224x96xf32, #tpu.memory_space<vmem>>, vector<1x1x16xf32>,
        %eq3A_665 = arith.constant 21504 : i32
        %eq3A_666 = vector.broadcast %eq3A_665 : i32 to vector<16xi32>
        %eq3A_667 = arith.cmpi eq, %sub3A_630, %eq3A_666 : vector<16xi32>
        %jit3A_668 = arith.constant 0.000000e+00 : f32
        %broadcast_in_dim3A_669 = vector.broadcast %jit3A_668 : f32 to vector<16xf32>
        %select_n3A_670 = arith.select %eq3A_667, %get3A_614, %broadcast_in_dim3A_669 : vector<16xi1>, vector<16xf32>
        %mul3A_671 = arith.constant 2 : i32
        %mul3A_672 = arith.muli %mul3A_671, %scan3A_431 : i32
        %add3A_673 = arith.constant 0 : i32
        %add3A_674 = arith.addi %mul3A_672, %add3A_673 : i32
        %swap3A_675 = arith.constant 1 : i32
        %swap3A_676 = arith.index_cast %swap3A_675 : i32 to index
        %swap3A_677 = arith.index_cast %add3A_674 : i32 to index
        %swap3A_678 = arith.constant 32 : index
        %swap3A_679 = tpu.vector_load %arg7[%swap3A_676, %swap3A_677, %swap3A_678] {strides = array<i32>} : memref<2x224x96xf32, #tpu.memory_space<vmem>>, vector<1x1x16xf32>,
        %swap3A_680 = vector.shape_cast %swap3A_679 : vector<1x1x16xf32> to vector<16xf32>
        %swap3A_681 = vector.shape_cast %select_n3A_670 : vector<16xf32> to vector<1x1x16xf32>
        tpu.vector_store %arg7[%swap3A_676, %swap3A_677, %swap3A_678], %swap3A_681 {strides = array<i32>} : memref<2x224x96xf32, #tpu.memory_space<vmem>>, vector<1x1x16xf32>,
        %eq3A_682 = arith.constant 21600 : i32
        %eq3A_683 = vector.broadcast %eq3A_682 : i32 to vector<16xi32>
        %eq3A_684 = arith.cmpi eq, %sub3A_630, %eq3A_683 : vector<16xi32>
        %jit3A_685 = arith.constant 0.000000e+00 : f32
        %broadcast_in_dim3A_686 = vector.broadcast %jit3A_685 : f32 to vector<16xf32>
        %select_n3A_687 = arith.select %eq3A_684, %get3A_614, %broadcast_in_dim3A_686 : vector<16xi1>, vector<16xf32>
        %mul3A_688 = arith.constant 2 : i32
        %mul3A_689 = arith.muli %mul3A_688, %scan3A_431 : i32
        %add3A_690 = arith.constant 1 : i32
        %add3A_691 = arith.addi %mul3A_689, %add3A_690 : i32
        %swap3A_692 = arith.constant 1 : i32
        %swap3A_693 = arith.index_cast %swap3A_692 : i32 to index
        %swap3A_694 = arith.index_cast %add3A_691 : i32 to index
        %swap3A_695 = arith.constant 32 : index
        %swap3A_696 = tpu.vector_load %arg7[%swap3A_693, %swap3A_694, %swap3A_695] {strides = array<i32>} : memref<2x224x96xf32, #tpu.memory_space<vmem>>, vector<1x1x16xf32>,
        %swap3A_697 = vector.shape_cast %swap3A_696 : vector<1x1x16xf32> to vector<16xf32>
        %swap3A_698 = vector.shape_cast %select_n3A_687 : vector<16xf32> to vector<1x1x16xf32>
        tpu.vector_store %arg7[%swap3A_693, %swap3A_694, %swap3A_695], %swap3A_698 {strides = array<i32>} : memref<2x224x96xf32, #tpu.memory_space<vmem>>, vector<1x1x16xf32>,
        %get3A_699 = arith.constant 1 : i32
        %get3A_700 = arith.index_cast %get3A_699 : i32 to index
        %get3A_701 = arith.index_cast %scan3A_431 : i32 to index
        %get3A_702 = arith.constant 48 : index
        %get3A_703 = tpu.vector_load %arg5[%get3A_700, %get3A_701, %get3A_702] {strides = array<i32>} : memref<2x112x96xf32, #tpu.memory_space<vmem>>, vector<1x1x16xf32>,
        %get3A_704 = vector.shape_cast %get3A_703 : vector<1x1x16xf32> to vector<16xf32>
        %get3A_705 = arith.constant 1 : i32
        %get3A_706 = arith.index_cast %get3A_705 : i32 to index
        %get3A_707 = arith.index_cast %scan3A_431 : i32 to index
        %get3A_708 = arith.constant 48 : index
        %get3A_709 = tpu.vector_load %arg6[%get3A_706, %get3A_707, %get3A_708] {strides = array<i32>} : memref<2x112x96xi32, #tpu.memory_space<vmem>>, vector<1x1x16xi32>,
        %get3A_710 = vector.shape_cast %get3A_709 : vector<1x1x16xi32> to vector<16xi32>
        %mul3A_711 = arith.constant 2 : i32
        %mul3A_712 = arith.muli %mul3A_711, %scan3A_431 : i32
        %mul3A_713 = arith.constant 96 : i32
        %mul3A_714 = arith.muli %mul3A_712, %mul3A_713 : i32
        %add3A_715 = arith.addi %mul3A_407, %mul3A_714 : i32
        %add3A_716 = arith.constant 48 : i32
        %add3A_717 = arith.addi %add3A_715, %add3A_716 : i32
        %add3A_718 = vector.broadcast %add3A_717 : i32 to vector<16xi32>
        %add3A_719 = arith.addi %add3A_718, %iota3A : vector<16xi32>
        %sub3A_720 = arith.subi %get3A_710, %add3A_719 : vector<16xi32>
        %eq3A_721 = arith.constant 0 : i32
        %eq3A_722 = vector.broadcast %eq3A_721 : i32 to vector<16xi32>
        %eq3A_723 = arith.cmpi eq, %sub3A_720, %eq3A_722 : vector<16xi32>
        %jit3A_724 = arith.constant 0.000000e+00 : f32
        %broadcast_in_dim3A_725 = vector.broadcast %jit3A_724 : f32 to vector<16xf32>
        %select_n3A_726 = arith.select %eq3A_723, %get3A_704, %broadcast_in_dim3A_725 : vector<16xi1>, vector<16xf32>
        %mul3A_727 = arith.constant 2 : i32
        %mul3A_728 = arith.muli %mul3A_727, %scan3A_431 : i32
        %add3A_729 = arith.constant 0 : i32
        %add3A_730 = arith.addi %mul3A_728, %add3A_729 : i32
        %swap3A_731 = arith.constant 0 : i32
        %swap3A_732 = arith.index_cast %swap3A_731 : i32 to index
        %swap3A_733 = arith.index_cast %add3A_730 : i32 to index
        %swap3A_734 = arith.constant 48 : index
        %swap3A_735 = tpu.vector_load %arg7[%swap3A_732, %swap3A_733, %swap3A_734] {strides = array<i32>} : memref<2x224x96xf32, #tpu.memory_space<vmem>>, vector<1x1x16xf32>,
        %swap3A_736 = vector.shape_cast %swap3A_735 : vector<1x1x16xf32> to vector<16xf32>
        %swap3A_737 = vector.shape_cast %select_n3A_726 : vector<16xf32> to vector<1x1x16xf32>
        tpu.vector_store %arg7[%swap3A_732, %swap3A_733, %swap3A_734], %swap3A_737 {strides = array<i32>} : memref<2x224x96xf32, #tpu.memory_space<vmem>>, vector<1x1x16xf32>,
        %eq3A_738 = arith.constant 96 : i32
        %eq3A_739 = vector.broadcast %eq3A_738 : i32 to vector<16xi32>
        %eq3A_740 = arith.cmpi eq, %sub3A_720, %eq3A_739 : vector<16xi32>
        %jit3A_741 = arith.constant 0.000000e+00 : f32
        %broadcast_in_dim3A_742 = vector.broadcast %jit3A_741 : f32 to vector<16xf32>
        %select_n3A_743 = arith.select %eq3A_740, %get3A_704, %broadcast_in_dim3A_742 : vector<16xi1>, vector<16xf32>
        %mul3A_744 = arith.constant 2 : i32
        %mul3A_745 = arith.muli %mul3A_744, %scan3A_431 : i32
        %add3A_746 = arith.constant 1 : i32
        %add3A_747 = arith.addi %mul3A_745, %add3A_746 : i32
        %swap3A_748 = arith.constant 0 : i32
        %swap3A_749 = arith.index_cast %swap3A_748 : i32 to index
        %swap3A_750 = arith.index_cast %add3A_747 : i32 to index
        %swap3A_751 = arith.constant 48 : index
        %swap3A_752 = tpu.vector_load %arg7[%swap3A_749, %swap3A_750, %swap3A_751] {strides = array<i32>} : memref<2x224x96xf32, #tpu.memory_space<vmem>>, vector<1x1x16xf32>,
        %swap3A_753 = vector.shape_cast %swap3A_752 : vector<1x1x16xf32> to vector<16xf32>
        %swap3A_754 = vector.shape_cast %select_n3A_743 : vector<16xf32> to vector<1x1x16xf32>
        tpu.vector_store %arg7[%swap3A_749, %swap3A_750, %swap3A_751], %swap3A_754 {strides = array<i32>} : memref<2x224x96xf32, #tpu.memory_space<vmem>>, vector<1x1x16xf32>,
        %eq3A_755 = arith.constant 21504 : i32
        %eq3A_756 = vector.broadcast %eq3A_755 : i32 to vector<16xi32>
        %eq3A_757 = arith.cmpi eq, %sub3A_720, %eq3A_756 : vector<16xi32>
        %jit3A_758 = arith.constant 0.000000e+00 : f32
        %broadcast_in_dim3A_759 = vector.broadcast %jit3A_758 : f32 to vector<16xf32>
        %select_n3A_760 = arith.select %eq3A_757, %get3A_704, %broadcast_in_dim3A_759 : vector<16xi1>, vector<16xf32>
        %mul3A_761 = arith.constant 2 : i32
        %mul3A_762 = arith.muli %mul3A_761, %scan3A_431 : i32
        %add3A_763 = arith.constant 0 : i32
        %add3A_764 = arith.addi %mul3A_762, %add3A_763 : i32
        %swap3A_765 = arith.constant 1 : i32
        %swap3A_766 = arith.index_cast %swap3A_765 : i32 to index
        %swap3A_767 = arith.index_cast %add3A_764 : i32 to index
        %swap3A_768 = arith.constant 48 : index
        %swap3A_769 = tpu.vector_load %arg7[%swap3A_766, %swap3A_767, %swap3A_768] {strides = array<i32>} : memref<2x224x96xf32, #tpu.memory_space<vmem>>, vector<1x1x16xf32>,
        %swap3A_770 = vector.shape_cast %swap3A_769 : vector<1x1x16xf32> to vector<16xf32>
        %swap3A_771 = vector.shape_cast %select_n3A_760 : vector<16xf32> to vector<1x1x16xf32>
        tpu.vector_store %arg7[%swap3A_766, %swap3A_767, %swap3A_768], %swap3A_771 {strides = array<i32>} : memref<2x224x96xf32, #tpu.memory_space<vmem>>, vector<1x1x16xf32>,
        %eq3A_772 = arith.constant 21600 : i32
        %eq3A_773 = vector.broadcast %eq3A_772 : i32 to vector<16xi32>
        %eq3A_774 = arith.cmpi eq, %sub3A_720, %eq3A_773 : vector<16xi32>
        %jit3A_775 = arith.constant 0.000000e+00 : f32
        %broadcast_in_dim3A_776 = vector.broadcast %jit3A_775 : f32 to vector<16xf32>
        %select_n3A_777 = arith.select %eq3A_774, %get3A_704, %broadcast_in_dim3A_776 : vector<16xi1>, vector<16xf32>
        %mul3A_778 = arith.constant 2 : i32
        %mul3A_779 = arith.muli %mul3A_778, %scan3A_431 : i32
        %add3A_780 = arith.constant 1 : i32
        %add3A_781 = arith.addi %mul3A_779, %add3A_780 : i32
        %swap3A_782 = arith.constant 1 : i32
        %swap3A_783 = arith.index_cast %swap3A_782 : i32 to index
        %swap3A_784 = arith.index_cast %add3A_781 : i32 to index
        %swap3A_785 = arith.constant 48 : index
        %swap3A_786 = tpu.vector_load %arg7[%swap3A_783, %swap3A_784, %swap3A_785] {strides = array<i32>} : memref<2x224x96xf32, #tpu.memory_space<vmem>>, vector<1x1x16xf32>,
        %swap3A_787 = vector.shape_cast %swap3A_786 : vector<1x1x16xf32> to vector<16xf32>
        %swap3A_788 = vector.shape_cast %select_n3A_777 : vector<16xf32> to vector<1x1x16xf32>
        tpu.vector_store %arg7[%swap3A_783, %swap3A_784, %swap3A_785], %swap3A_788 {strides = array<i32>} : memref<2x224x96xf32, #tpu.memory_space<vmem>>, vector<1x1x16xf32>,
        %get3A_789 = arith.constant 1 : i32
        %get3A_790 = arith.index_cast %get3A_789 : i32 to index
        %get3A_791 = arith.index_cast %scan3A_431 : i32 to index
        %get3A_792 = arith.constant 64 : index
        %get3A_793 = tpu.vector_load %arg5[%get3A_790, %get3A_791, %get3A_792] {strides = array<i32>} : memref<2x112x96xf32, #tpu.memory_space<vmem>>, vector<1x1x16xf32>,
        %get3A_794 = vector.shape_cast %get3A_793 : vector<1x1x16xf32> to vector<16xf32>
        %get3A_795 = arith.constant 1 : i32
        %get3A_796 = arith.index_cast %get3A_795 : i32 to index
        %get3A_797 = arith.index_cast %scan3A_431 : i32 to index
        %get3A_798 = arith.constant 64 : index
        %get3A_799 = tpu.vector_load %arg6[%get3A_796, %get3A_797, %get3A_798] {strides = array<i32>} : memref<2x112x96xi32, #tpu.memory_space<vmem>>, vector<1x1x16xi32>,
        %get3A_800 = vector.shape_cast %get3A_799 : vector<1x1x16xi32> to vector<16xi32>
        %mul3A_801 = arith.constant 2 : i32
        %mul3A_802 = arith.muli %mul3A_801, %scan3A_431 : i32
        %mul3A_803 = arith.constant 96 : i32
        %mul3A_804 = arith.muli %mul3A_802, %mul3A_803 : i32
        %add3A_805 = arith.addi %mul3A_407, %mul3A_804 : i32
        %add3A_806 = arith.constant 64 : i32
        %add3A_807 = arith.addi %add3A_805, %add3A_806 : i32
        %add3A_808 = vector.broadcast %add3A_807 : i32 to vector<16xi32>
        %add3A_809 = arith.addi %add3A_808, %iota3A : vector<16xi32>
        %sub3A_810 = arith.subi %get3A_800, %add3A_809 : vector<16xi32>
        %eq3A_811 = arith.constant 0 : i32
        %eq3A_812 = vector.broadcast %eq3A_811 : i32 to vector<16xi32>
        %eq3A_813 = arith.cmpi eq, %sub3A_810, %eq3A_812 : vector<16xi32>
        %jit3A_814 = arith.constant 0.000000e+00 : f32
        %broadcast_in_dim3A_815 = vector.broadcast %jit3A_814 : f32 to vector<16xf32>
        %select_n3A_816 = arith.select %eq3A_813, %get3A_794, %broadcast_in_dim3A_815 : vector<16xi1>, vector<16xf32>
        %mul3A_817 = arith.constant 2 : i32
        %mul3A_818 = arith.muli %mul3A_817, %scan3A_431 : i32
        %add3A_819 = arith.constant 0 : i32
        %add3A_820 = arith.addi %mul3A_818, %add3A_819 : i32
        %swap3A_821 = arith.constant 0 : i32
        %swap3A_822 = arith.index_cast %swap3A_821 : i32 to index
        %swap3A_823 = arith.index_cast %add3A_820 : i32 to index
        %swap3A_824 = arith.constant 64 : index
        %swap3A_825 = tpu.vector_load %arg7[%swap3A_822, %swap3A_823, %swap3A_824] {strides = array<i32>} : memref<2x224x96xf32, #tpu.memory_space<vmem>>, vector<1x1x16xf32>,
        %swap3A_826 = vector.shape_cast %swap3A_825 : vector<1x1x16xf32> to vector<16xf32>
        %swap3A_827 = vector.shape_cast %select_n3A_816 : vector<16xf32> to vector<1x1x16xf32>
        tpu.vector_store %arg7[%swap3A_822, %swap3A_823, %swap3A_824], %swap3A_827 {strides = array<i32>} : memref<2x224x96xf32, #tpu.memory_space<vmem>>, vector<1x1x16xf32>,
        %eq3A_828 = arith.constant 96 : i32
        %eq3A_829 = vector.broadcast %eq3A_828 : i32 to vector<16xi32>
        %eq3A_830 = arith.cmpi eq, %sub3A_810, %eq3A_829 : vector<16xi32>
        %jit3A_831 = arith.constant 0.000000e+00 : f32
        %broadcast_in_dim3A_832 = vector.broadcast %jit3A_831 : f32 to vector<16xf32>
        %select_n3A_833 = arith.select %eq3A_830, %get3A_794, %broadcast_in_dim3A_832 : vector<16xi1>, vector<16xf32>
        %mul3A_834 = arith.constant 2 : i32
        %mul3A_835 = arith.muli %mul3A_834, %scan3A_431 : i32
        %add3A_836 = arith.constant 1 : i32
        %add3A_837 = arith.addi %mul3A_835, %add3A_836 : i32
        %swap3A_838 = arith.constant 0 : i32
        %swap3A_839 = arith.index_cast %swap3A_838 : i32 to index
        %swap3A_840 = arith.index_cast %add3A_837 : i32 to index
        %swap3A_841 = arith.constant 64 : index
        %swap3A_842 = tpu.vector_load %arg7[%swap3A_839, %swap3A_840, %swap3A_841] {strides = array<i32>} : memref<2x224x96xf32, #tpu.memory_space<vmem>>, vector<1x1x16xf32>,
        %swap3A_843 = vector.shape_cast %swap3A_842 : vector<1x1x16xf32> to vector<16xf32>
        %swap3A_844 = vector.shape_cast %select_n3A_833 : vector<16xf32> to vector<1x1x16xf32>
        tpu.vector_store %arg7[%swap3A_839, %swap3A_840, %swap3A_841], %swap3A_844 {strides = array<i32>} : memref<2x224x96xf32, #tpu.memory_space<vmem>>, vector<1x1x16xf32>,
        %eq3A_845 = arith.constant 21504 : i32
        %eq3A_846 = vector.broadcast %eq3A_845 : i32 to vector<16xi32>
        %eq3A_847 = arith.cmpi eq, %sub3A_810, %eq3A_846 : vector<16xi32>
        %jit3A_848 = arith.constant 0.000000e+00 : f32
        %broadcast_in_dim3A_849 = vector.broadcast %jit3A_848 : f32 to vector<16xf32>
        %select_n3A_850 = arith.select %eq3A_847, %get3A_794, %broadcast_in_dim3A_849 : vector<16xi1>, vector<16xf32>
        %mul3A_851 = arith.constant 2 : i32
        %mul3A_852 = arith.muli %mul3A_851, %scan3A_431 : i32
        %add3A_853 = arith.constant 0 : i32
        %add3A_854 = arith.addi %mul3A_852, %add3A_853 : i32
        %swap3A_855 = arith.constant 1 : i32
        %swap3A_856 = arith.index_cast %swap3A_855 : i32 to index
        %swap3A_857 = arith.index_cast %add3A_854 : i32 to index
        %swap3A_858 = arith.constant 64 : index
        %swap3A_859 = tpu.vector_load %arg7[%swap3A_856, %swap3A_857, %swap3A_858] {strides = array<i32>} : memref<2x224x96xf32, #tpu.memory_space<vmem>>, vector<1x1x16xf32>,
        %swap3A_860 = vector.shape_cast %swap3A_859 : vector<1x1x16xf32> to vector<16xf32>
        %swap3A_861 = vector.shape_cast %select_n3A_850 : vector<16xf32> to vector<1x1x16xf32>
        tpu.vector_store %arg7[%swap3A_856, %swap3A_857, %swap3A_858], %swap3A_861 {strides = array<i32>} : memref<2x224x96xf32, #tpu.memory_space<vmem>>, vector<1x1x16xf32>,
        %eq3A_862 = arith.constant 21600 : i32
        %eq3A_863 = vector.broadcast %eq3A_862 : i32 to vector<16xi32>
        %eq3A_864 = arith.cmpi eq, %sub3A_810, %eq3A_863 : vector<16xi32>
        %jit3A_865 = arith.constant 0.000000e+00 : f32
        %broadcast_in_dim3A_866 = vector.broadcast %jit3A_865 : f32 to vector<16xf32>
        %select_n3A_867 = arith.select %eq3A_864, %get3A_794, %broadcast_in_dim3A_866 : vector<16xi1>, vector<16xf32>
        %mul3A_868 = arith.constant 2 : i32
        %mul3A_869 = arith.muli %mul3A_868, %scan3A_431 : i32
        %add3A_870 = arith.constant 1 : i32
        %add3A_871 = arith.addi %mul3A_869, %add3A_870 : i32
        %swap3A_872 = arith.constant 1 : i32
        %swap3A_873 = arith.index_cast %swap3A_872 : i32 to index
        %swap3A_874 = arith.index_cast %add3A_871 : i32 to index
        %swap3A_875 = arith.constant 64 : index
        %swap3A_876 = tpu.vector_load %arg7[%swap3A_873, %swap3A_874, %swap3A_875] {strides = array<i32>} : memref<2x224x96xf32, #tpu.memory_space<vmem>>, vector<1x1x16xf32>,
        %swap3A_877 = vector.shape_cast %swap3A_876 : vector<1x1x16xf32> to vector<16xf32>
        %swap3A_878 = vector.shape_cast %select_n3A_867 : vector<16xf32> to vector<1x1x16xf32>
        tpu.vector_store %arg7[%swap3A_873, %swap3A_874, %swap3A_875], %swap3A_878 {strides = array<i32>} : memref<2x224x96xf32, #tpu.memory_space<vmem>>, vector<1x1x16xf32>,
        %get3A_879 = arith.constant 1 : i32
        %get3A_880 = arith.index_cast %get3A_879 : i32 to index
        %get3A_881 = arith.index_cast %scan3A_431 : i32 to index
        %get3A_882 = arith.constant 80 : index
        %get3A_883 = tpu.vector_load %arg5[%get3A_880, %get3A_881, %get3A_882] {strides = array<i32>} : memref<2x112x96xf32, #tpu.memory_space<vmem>>, vector<1x1x16xf32>,
        %get3A_884 = vector.shape_cast %get3A_883 : vector<1x1x16xf32> to vector<16xf32>
        %get3A_885 = arith.constant 1 : i32
        %get3A_886 = arith.index_cast %get3A_885 : i32 to index
        %get3A_887 = arith.index_cast %scan3A_431 : i32 to index
        %get3A_888 = arith.constant 80 : index
        %get3A_889 = tpu.vector_load %arg6[%get3A_886, %get3A_887, %get3A_888] {strides = array<i32>} : memref<2x112x96xi32, #tpu.memory_space<vmem>>, vector<1x1x16xi32>,
        %get3A_890 = vector.shape_cast %get3A_889 : vector<1x1x16xi32> to vector<16xi32>
        %mul3A_891 = arith.constant 2 : i32
        %mul3A_892 = arith.muli %mul3A_891, %scan3A_431 : i32
        %mul3A_893 = arith.constant 96 : i32
        %mul3A_894 = arith.muli %mul3A_892, %mul3A_893 : i32
        %add3A_895 = arith.addi %mul3A_407, %mul3A_894 : i32
        %add3A_896 = arith.constant 80 : i32
        %add3A_897 = arith.addi %add3A_895, %add3A_896 : i32
        %add3A_898 = vector.broadcast %add3A_897 : i32 to vector<16xi32>
        %add3A_899 = arith.addi %add3A_898, %iota3A : vector<16xi32>
        %sub3A_900 = arith.subi %get3A_890, %add3A_899 : vector<16xi32>
        %eq3A_901 = arith.constant 0 : i32
        %eq3A_902 = vector.broadcast %eq3A_901 : i32 to vector<16xi32>
        %eq3A_903 = arith.cmpi eq, %sub3A_900, %eq3A_902 : vector<16xi32>
        %jit3A_904 = arith.constant 0.000000e+00 : f32
        %broadcast_in_dim3A_905 = vector.broadcast %jit3A_904 : f32 to vector<16xf32>
        %select_n3A_906 = arith.select %eq3A_903, %get3A_884, %broadcast_in_dim3A_905 : vector<16xi1>, vector<16xf32>
        %mul3A_907 = arith.constant 2 : i32
        %mul3A_908 = arith.muli %mul3A_907, %scan3A_431 : i32
        %add3A_909 = arith.constant 0 : i32
        %add3A_910 = arith.addi %mul3A_908, %add3A_909 : i32
        %swap3A_911 = arith.constant 0 : i32
        %swap3A_912 = arith.index_cast %swap3A_911 : i32 to index
        %swap3A_913 = arith.index_cast %add3A_910 : i32 to index
        %swap3A_914 = arith.constant 80 : index
        %swap3A_915 = tpu.vector_load %arg7[%swap3A_912, %swap3A_913, %swap3A_914] {strides = array<i32>} : memref<2x224x96xf32, #tpu.memory_space<vmem>>, vector<1x1x16xf32>,
        %swap3A_916 = vector.shape_cast %swap3A_915 : vector<1x1x16xf32> to vector<16xf32>
        %swap3A_917 = vector.shape_cast %select_n3A_906 : vector<16xf32> to vector<1x1x16xf32>
        tpu.vector_store %arg7[%swap3A_912, %swap3A_913, %swap3A_914], %swap3A_917 {strides = array<i32>} : memref<2x224x96xf32, #tpu.memory_space<vmem>>, vector<1x1x16xf32>,
        %eq3A_918 = arith.constant 96 : i32
        %eq3A_919 = vector.broadcast %eq3A_918 : i32 to vector<16xi32>
        %eq3A_920 = arith.cmpi eq, %sub3A_900, %eq3A_919 : vector<16xi32>
        %jit3A_921 = arith.constant 0.000000e+00 : f32
        %broadcast_in_dim3A_922 = vector.broadcast %jit3A_921 : f32 to vector<16xf32>
        %select_n3A_923 = arith.select %eq3A_920, %get3A_884, %broadcast_in_dim3A_922 : vector<16xi1>, vector<16xf32>
        %mul3A_924 = arith.constant 2 : i32
        %mul3A_925 = arith.muli %mul3A_924, %scan3A_431 : i32
        %add3A_926 = arith.constant 1 : i32
        %add3A_927 = arith.addi %mul3A_925, %add3A_926 : i32
        %swap3A_928 = arith.constant 0 : i32
        %swap3A_929 = arith.index_cast %swap3A_928 : i32 to index
        %swap3A_930 = arith.index_cast %add3A_927 : i32 to index
        %swap3A_931 = arith.constant 80 : index
        %swap3A_932 = tpu.vector_load %arg7[%swap3A_929, %swap3A_930, %swap3A_931] {strides = array<i32>} : memref<2x224x96xf32, #tpu.memory_space<vmem>>, vector<1x1x16xf32>,
        %swap3A_933 = vector.shape_cast %swap3A_932 : vector<1x1x16xf32> to vector<16xf32>
        %swap3A_934 = vector.shape_cast %select_n3A_923 : vector<16xf32> to vector<1x1x16xf32>
        tpu.vector_store %arg7[%swap3A_929, %swap3A_930, %swap3A_931], %swap3A_934 {strides = array<i32>} : memref<2x224x96xf32, #tpu.memory_space<vmem>>, vector<1x1x16xf32>,
        %eq3A_935 = arith.constant 21504 : i32
        %eq3A_936 = vector.broadcast %eq3A_935 : i32 to vector<16xi32>
        %eq3A_937 = arith.cmpi eq, %sub3A_900, %eq3A_936 : vector<16xi32>
        %jit3A_938 = arith.constant 0.000000e+00 : f32
        %broadcast_in_dim3A_939 = vector.broadcast %jit3A_938 : f32 to vector<16xf32>
        %select_n3A_940 = arith.select %eq3A_937, %get3A_884, %broadcast_in_dim3A_939 : vector<16xi1>, vector<16xf32>
        %mul3A_941 = arith.constant 2 : i32
        %mul3A_942 = arith.muli %mul3A_941, %scan3A_431 : i32
        %add3A_943 = arith.constant 0 : i32
        %add3A_944 = arith.addi %mul3A_942, %add3A_943 : i32
        %swap3A_945 = arith.constant 1 : i32
        %swap3A_946 = arith.index_cast %swap3A_945 : i32 to index
        %swap3A_947 = arith.index_cast %add3A_944 : i32 to index
        %swap3A_948 = arith.constant 80 : index
        %swap3A_949 = tpu.vector_load %arg7[%swap3A_946, %swap3A_947, %swap3A_948] {strides = array<i32>} : memref<2x224x96xf32, #tpu.memory_space<vmem>>, vector<1x1x16xf32>,
        %swap3A_950 = vector.shape_cast %swap3A_949 : vector<1x1x16xf32> to vector<16xf32>
        %swap3A_951 = vector.shape_cast %select_n3A_940 : vector<16xf32> to vector<1x1x16xf32>
        tpu.vector_store %arg7[%swap3A_946, %swap3A_947, %swap3A_948], %swap3A_951 {strides = array<i32>} : memref<2x224x96xf32, #tpu.memory_space<vmem>>, vector<1x1x16xf32>,
        %eq3A_952 = arith.constant 21600 : i32
        %eq3A_953 = vector.broadcast %eq3A_952 : i32 to vector<16xi32>
        %eq3A_954 = arith.cmpi eq, %sub3A_900, %eq3A_953 : vector<16xi32>
        %jit3A_955 = arith.constant 0.000000e+00 : f32
        %broadcast_in_dim3A_956 = vector.broadcast %jit3A_955 : f32 to vector<16xf32>
        %select_n3A_957 = arith.select %eq3A_954, %get3A_884, %broadcast_in_dim3A_956 : vector<16xi1>, vector<16xf32>
        %mul3A_958 = arith.constant 2 : i32
        %mul3A_959 = arith.muli %mul3A_958, %scan3A_431 : i32
        %add3A_960 = arith.constant 1 : i32
        %add3A_961 = arith.addi %mul3A_959, %add3A_960 : i32
        %swap3A_962 = arith.constant 1 : i32
        %swap3A_963 = arith.index_cast %swap3A_962 : i32 to index
        %swap3A_964 = arith.index_cast %add3A_961 : i32 to index
        %swap3A_965 = arith.constant 80 : index
        %swap3A_966 = tpu.vector_load %arg7[%swap3A_963, %swap3A_964, %swap3A_965] {strides = array<i32>} : memref<2x224x96xf32, #tpu.memory_space<vmem>>, vector<1x1x16xf32>,
        %swap3A_967 = vector.shape_cast %swap3A_966 : vector<1x1x16xf32> to vector<16xf32>
        %swap3A_968 = vector.shape_cast %select_n3A_957 : vector<16xf32> to vector<1x1x16xf32>
        tpu.vector_store %arg7[%swap3A_963, %swap3A_964, %swap3A_965], %swap3A_968 {strides = array<i32>} : memref<2x224x96xf32, #tpu.memory_space<vmem>>, vector<1x1x16xf32>,
      }
      %scan3A_413 = arith.constant 112 : i32
      %mul3A_414 = arith.constant 2 : i32
      %mul3A_415 = arith.muli %mul3A_414, %select_n3A_356 : i32
      %dma_start3A_416 = arith.constant 0 : i32
      %dma_start3A_417 = arith.constant 0 : i32
      %dma_start3A_418 = tpu.memref_slice %arg4[%select_n3A_340, %mul3A_415, %dma_start3A_416, %dma_start3A_417] : memref<8x224x224x96xf32, #tpu.memory_space<hbm>> -> memref<1x2x224x96xf32, #tpu.memory_space<hbm>>
      %dma_start3A_419 = tpu.memref_squeeze %dma_start3A_418 : memref<1x2x224x96xf32, #tpu.memory_space<hbm>> -> memref<2x224x96xf32, #tpu.memory_space<hbm>>
      %dma_start3A_420 = arith.constant 0 : i32
      %dma_start3A_421 = arith.constant 0 : i32
      %dma_start3A_422 = tpu.memref_slice %arg4[%select_n3A_340, %mul3A_415, %dma_start3A_420, %dma_start3A_421] : memref<8x224x224x96xf32, #tpu.memory_space<hbm>> -> memref<1x2x224x96xf32, #tpu.memory_space<hbm>>
      %dma_start3A_423 = tpu.memref_squeeze %dma_start3A_422 : memref<1x2x224x96xf32, #tpu.memory_space<hbm>> -> memref<2x224x96xf32, #tpu.memory_space<hbm>>
      tpu.enqueue_dma source(%arg7 : memref<2x224x96xf32, #tpu.memory_space<vmem>>) target(%dma_start3A_423 : memref<2x224x96xf32, #tpu.memory_space<hbm>>) target_semaphore(%arg12 : memref<!tpu.dma_semaphore, #tpu.memory_space<semaphore_mem>>)
      %add3A_424 = arith.constant 2 : i32
      %add3A_425 = arith.addi %add3A_315, %add3A_424 : i32
      %lt3A_426 = arith.constant 28 : i32
      %lt3A_427 = arith.cmpi slt, %add3A_425, %lt3A_426 : i32
      %convert_element_type3A_428 = arith.extui %lt3A_427 : i1 to i32
      %cond3A_429 = arith.constant 0 : i32
      %cond3A_430 = arith.cmpi ne, %convert_element_type3A_428, %cond3A_429 : i32
      scf.if %cond3A_430 {
        %add3A_431 = arith.constant 2 : i32
        %add3A_432 = arith.addi %add3A_315, %add3A_431 : i32
        %add3A_433 = arith.addi %mul3A_2, %add3A_432 : i32
        %jit3A_434 = arith.constant 112 : i32
        %div3A_435 = arith.divsi %add3A_433, %jit3A_434 : i32
        %sign3A_436 = arith.constant 0 : i32
        %sign3A_437 = arith.cmpi sgt, %add3A_433, %sign3A_436 : i32
        %sign3A_438 = arith.extui %sign3A_437 : i1 to i32
        %sign3A_439 = arith.constant 0 : i32
        %sign3A_440 = arith.cmpi slt, %add3A_433, %sign3A_439 : i32
        %sign3A_441 = arith.extui %sign3A_440 : i1 to i32
        %sign3A_442 = arith.subi %sign3A_438, %sign3A_441 : i32
        %sign3A_443 = arith.constant 0 : i32
        %sign3A_444 = arith.cmpi sgt, %jit3A_434, %sign3A_443 : i32
        %sign3A_445 = arith.extui %sign3A_444 : i1 to i32
        %sign3A_446 = arith.constant 0 : i32
        %sign3A_447 = arith.cmpi slt, %jit3A_434, %sign3A_446 : i32
        %sign3A_448 = arith.extui %sign3A_447 : i1 to i32
        %sign3A_449 = arith.subi %sign3A_445, %sign3A_448 : i32
        %ne3A_450 = arith.cmpi ne, %sign3A_442, %sign3A_449 : i32
        %rem3A_451 = arith.remsi %add3A_433, %jit3A_434 : i32
        %ne3A_452 = arith.constant 0 : i32
        %ne3A_453 = arith.cmpi ne, %rem3A_451, %ne3A_452 : i32
        %and3A_454 = arith.andi %ne3A_450, %ne3A_453 : i1
        %sub3A_455 = arith.constant 1 : i32
        %sub3A_456 = arith.subi %div3A_435, %sub3A_455 : i32
        %select_n3A_457 = arith.select %and3A_454, %sub3A_456, %div3A_435 : i32
        %jit3A_458 = arith.constant 112 : i32
        %eq3A_459 = arith.constant 0 : i32
        %eq3A_460 = arith.cmpi eq, %jit3A_458, %eq3A_459 : i32
        %jit3A_461 = arith.constant 1 : i32
        %select_n3A_462 = arith.select %eq3A_460, %jit3A_461, %jit3A_458 : i32
        %rem3A_463 = arith.remsi %add3A_433, %select_n3A_462 : i32
        %ne3A_464 = arith.constant 0 : i32
        %ne3A_465 = arith.cmpi ne, %rem3A_463, %ne3A_464 : i32
        %lt3A_466 = arith.constant 0 : i32
        %lt3A_467 = arith.cmpi slt, %rem3A_463, %lt3A_466 : i32
        %lt3A_468 = arith.constant 0 : i32
        %lt3A_469 = arith.cmpi slt, %select_n3A_462, %lt3A_468 : i32
        %ne3A_470 = arith.xori %lt3A_467, %lt3A_469 : i1
        %and3A_471 = arith.andi %ne3A_470, %ne3A_465 : i1
        %add3A_472 = arith.addi %rem3A_463, %select_n3A_462 : i32
        %select_n3A_473 = arith.select %and3A_471, %add3A_472, %rem3A_463 : i32
        %dma_start3A_474 = arith.constant 1 : i32
        %dma_start3A_475 = arith.constant 0 : i32
        %dma_start3A_476 = arith.constant 0 : i32
        %dma_start3A_477 = tpu.memref_slice %arg5[%dma_start3A_474, %dma_start3A_475, %dma_start3A_476] : memref<2x112x96xf32, #tpu.memory_space<vmem>> -> memref<1x112x96xf32, #tpu.memory_space<vmem>>
        %dma_start3A_478 = tpu.memref_squeeze %dma_start3A_477 : memref<1x112x96xf32, #tpu.memory_space<vmem>> -> memref<112x96xf32, #tpu.memory_space<vmem>>
        %dma_start3A_479 = arith.constant 0 : i32
        %dma_start3A_480 = arith.constant 0 : i32
        %dma_start3A_481 = tpu.memref_slice %arg2[%select_n3A_457, %select_n3A_473, %dma_start3A_479, %dma_start3A_480] : memref<8x112x112x96xf32, #tpu.memory_space<hbm>> -> memref<1x1x112x96xf32, #tpu.memory_space<hbm>>
        %dma_start3A_482 = tpu.memref_squeeze %dma_start3A_481 : memref<1x1x112x96xf32, #tpu.memory_space<hbm>> -> memref<112x96xf32, #tpu.memory_space<hbm>>
        %dma_start3A_483 = arith.constant 0 : i32
        %dma_start3A_484 = arith.constant 0 : i32
        %dma_start3A_485 = tpu.memref_slice %arg5[%dma_start3A_474, %dma_start3A_483, %dma_start3A_484] : memref<2x112x96xf32, #tpu.memory_space<vmem>> -> memref<1x112x96xf32, #tpu.memory_space<vmem>>
        %dma_start3A_486 = tpu.memref_squeeze %dma_start3A_485 : memref<1x112x96xf32, #tpu.memory_space<vmem>> -> memref<112x96xf32, #tpu.memory_space<vmem>>
        %dma_start3A_487 = arith.constant 0 : i32
        %dma_start3A_488 = arith.constant 0 : i32
        %dma_start3A_489 = tpu.memref_slice %arg2[%select_n3A_457, %select_n3A_473, %dma_start3A_487, %dma_start3A_488] : memref<8x112x112x96xf32, #tpu.memory_space<hbm>> -> memref<1x1x112x96xf32, #tpu.memory_space<hbm>>
        %dma_start3A_490 = tpu.memref_squeeze %dma_start3A_489 : memref<1x1x112x96xf32, #tpu.memory_space<hbm>> -> memref<112x96xf32, #tpu.memory_space<hbm>>
        tpu.enqueue_dma source(%dma_start3A_490 : memref<112x96xf32, #tpu.memory_space<hbm>>) target(%dma_start3A_486 : memref<112x96xf32, #tpu.memory_space<vmem>>) target_semaphore(%arg9 : memref<!tpu.dma_semaphore, #tpu.memory_space<semaphore_mem>>)
        %dma_start3A_491 = arith.constant 1 : i32
        %dma_start3A_492 = arith.constant 0 : i32
        %dma_start3A_493 = arith.constant 0 : i32
        %dma_start3A_494 = tpu.memref_slice %arg6[%dma_start3A_491, %dma_start3A_492, %dma_start3A_493] : memref<2x112x96xi32, #tpu.memory_space<vmem>> -> memref<1x112x96xi32, #tpu.memory_space<vmem>>
        %dma_start3A_495 = tpu.memref_squeeze %dma_start3A_494 : memref<1x112x96xi32, #tpu.memory_space<vmem>> -> memref<112x96xi32, #tpu.memory_space<vmem>>
        %dma_start3A_496 = arith.constant 0 : i32
        %dma_start3A_497 = arith.constant 0 : i32
        %dma_start3A_498 = tpu.memref_slice %arg3[%select_n3A_457, %select_n3A_473, %dma_start3A_496, %dma_start3A_497] : memref<8x112x112x96xi32, #tpu.memory_space<hbm>> -> memref<1x1x112x96xi32, #tpu.memory_space<hbm>>
        %dma_start3A_499 = tpu.memref_squeeze %dma_start3A_498 : memref<1x1x112x96xi32, #tpu.memory_space<hbm>> -> memref<112x96xi32, #tpu.memory_space<hbm>>
        %dma_start3A_500 = arith.constant 0 : i32
        %dma_start3A_501 = arith.constant 0 : i32
        %dma_start3A_502 = tpu.memref_slice %arg6[%dma_start3A_491, %dma_start3A_500, %dma_start3A_501] : memref<2x112x96xi32, #tpu.memory_space<vmem>> -> memref<1x112x96xi32, #tpu.memory_space<vmem>>
        %dma_start3A_503 = tpu.memref_squeeze %dma_start3A_502 : memref<1x112x96xi32, #tpu.memory_space<vmem>> -> memref<112x96xi32, #tpu.memory_space<vmem>>
        %dma_start3A_504 = arith.constant 0 : i32
        %dma_start3A_505 = arith.constant 0 : i32
        %dma_start3A_506 = tpu.memref_slice %arg3[%select_n3A_457, %select_n3A_473, %dma_start3A_504, %dma_start3A_505] : memref<8x112x112x96xi32, #tpu.memory_space<hbm>> -> memref<1x1x112x96xi32, #tpu.memory_space<hbm>>
        %dma_start3A_507 = tpu.memref_squeeze %dma_start3A_506 : memref<1x1x112x96xi32, #tpu.memory_space<hbm>> -> memref<112x96xi32, #tpu.memory_space<hbm>>
        tpu.enqueue_dma source(%dma_start3A_507 : memref<112x96xi32, #tpu.memory_space<hbm>>) target(%dma_start3A_503 : memref<112x96xi32, #tpu.memory_space<vmem>>) target_semaphore(%arg11 : memref<!tpu.dma_semaphore, #tpu.memory_space<semaphore_mem>>)
      } else {
      }
    }
    %scan3A_148 = arith.constant 14 : i32
    %add3A_149 = arith.constant 27 : i32
    %add3A_150 = arith.addi %mul3A_2, %add3A_149 : i32
    %jit3A_151 = arith.constant 112 : i32
    %div3A_152 = arith.divsi %add3A_150, %jit3A_151 : i32
    %sign3A_153 = arith.constant 0 : i32
    %sign3A_154 = arith.cmpi sgt, %add3A_150, %sign3A_153 : i32
    %sign3A_155 = arith.extui %sign3A_154 : i1 to i32
    %sign3A_156 = arith.constant 0 : i32
    %sign3A_157 = arith.cmpi slt, %add3A_150, %sign3A_156 : i32
    %sign3A_158 = arith.extui %sign3A_157 : i1 to i32
    %sign3A_159 = arith.subi %sign3A_155, %sign3A_158 : i32
    %sign3A_160 = arith.constant 0 : i32
    %sign3A_161 = arith.cmpi sgt, %jit3A_151, %sign3A_160 : i32
    %sign3A_162 = arith.extui %sign3A_161 : i1 to i32
    %sign3A_163 = arith.constant 0 : i32
    %sign3A_164 = arith.cmpi slt, %jit3A_151, %sign3A_163 : i32
    %sign3A_165 = arith.extui %sign3A_164 : i1 to i32
    %sign3A_166 = arith.subi %sign3A_162, %sign3A_165 : i32
    %ne3A_167 = arith.cmpi ne, %sign3A_159, %sign3A_166 : i32
    %rem3A_168 = arith.remsi %add3A_150, %jit3A_151 : i32
    %ne3A_169 = arith.constant 0 : i32
    %ne3A_170 = arith.cmpi ne, %rem3A_168, %ne3A_169 : i32
    %and3A_171 = arith.andi %ne3A_167, %ne3A_170 : i1
    %sub3A_172 = arith.constant 1 : i32
    %sub3A_173 = arith.subi %div3A_152, %sub3A_172 : i32
    %select_n3A_174 = arith.select %and3A_171, %sub3A_173, %div3A_152 : i32
    %jit3A_175 = arith.constant 112 : i32
    %eq3A_176 = arith.constant 0 : i32
    %eq3A_177 = arith.cmpi eq, %jit3A_175, %eq3A_176 : i32
    %jit3A_178 = arith.constant 1 : i32
    %select_n3A_179 = arith.select %eq3A_177, %jit3A_178, %jit3A_175 : i32
    %rem3A_180 = arith.remsi %add3A_150, %select_n3A_179 : i32
    %ne3A_181 = arith.constant 0 : i32
    %ne3A_182 = arith.cmpi ne, %rem3A_180, %ne3A_181 : i32
    %lt3A_183 = arith.constant 0 : i32
    %lt3A_184 = arith.cmpi slt, %rem3A_180, %lt3A_183 : i32
    %lt3A_185 = arith.constant 0 : i32
    %lt3A_186 = arith.cmpi slt, %select_n3A_179, %lt3A_185 : i32
    %ne3A_187 = arith.xori %lt3A_184, %lt3A_186 : i1
    %and3A_188 = arith.andi %ne3A_187, %ne3A_182 : i1
    %add3A_189 = arith.addi %rem3A_180, %select_n3A_179 : i32
    %select_n3A_190 = arith.select %and3A_188, %add3A_189, %rem3A_180 : i32
    %mul3A_191 = arith.constant 2 : i32
    %mul3A_192 = arith.muli %mul3A_191, %select_n3A_190 : i32
    %dma_wait3A = arith.constant 0 : i32
    %dma_wait3A_193 = arith.constant 0 : i32
    %dma_wait3A_194 = tpu.memref_slice %arg4[%select_n3A_174, %mul3A_192, %dma_wait3A, %dma_wait3A_193] : memref<8x224x224x96xf32, #tpu.memory_space<hbm>> -> memref<1x2x224x96xf32, #tpu.memory_space<hbm>>
    %dma_wait3A_195 = tpu.memref_squeeze %dma_wait3A_194 : memref<1x2x224x96xf32, #tpu.memory_space<hbm>> -> memref<2x224x96xf32, #tpu.memory_space<hbm>>
    %dma_wait3A_196 = arith.constant 0 : i32
    %dma_wait3A_197 = arith.constant 0 : i32
    %dma_wait3A_198 = tpu.memref_slice %arg4[%select_n3A_174, %mul3A_192, %dma_wait3A_196, %dma_wait3A_197] : memref<8x224x224x96xf32, #tpu.memory_space<hbm>> -> memref<1x2x224x96xf32, #tpu.memory_space<hbm>>
    %dma_wait3A_199 = tpu.memref_squeeze %dma_wait3A_198 : memref<1x2x224x96xf32, #tpu.memory_space<hbm>> -> memref<2x224x96xf32, #tpu.memory_space<hbm>>
    tpu.wait_dma2 semaphore(%arg12 : memref<!tpu.dma_semaphore, #tpu.memory_space<semaphore_mem>>) src(%arg7 : memref<2x224x96xf32, #tpu.memory_space<vmem>>) dst(%dma_wait3A_199 : memref<2x224x96xf32, #tpu.memory_space<hbm>>)
    return
  }
}

</mosaic_0001>

<sc_bundles>
// kernel: kernel.3.cloned.1.call-start
scs
__scs_entry_jumppad:
0x0: {  	(pc) =	sbr.rel $0x88, $3  }
0x1: {  	(tag) =	ssettag $0x0;
	lr =	simm.s32 $0x1  }
0x2: {  	[smem:$0x3F9F] =	sst lr;
	_ =	strace $0xD0000000  }
0x3: {  	_ = 	snop  }
0x4: {  	_ = 	snop  }
0x5: {  	_ = 	snop  }
0x6: {  	_ = 	snop  }
0x7: {  	_ = 	snop  }
__scs_overlays_trampoline_lowered:
0x8: {  	[smem:$0x3FAE] =	sst s0  }
0x9: {  	[smem:$0x3FAF] =	sst s1  }
0xa: {  	[smem:$0x3FB0] =	sst s2  }
0xb: {  	[smem:$0x3FB1] =	sst s3  }
0xc: {  	[smem:$0x3FB2] =	sst s4  }
0xd: {  	[smem:$0x3FB3] =	sst s5  }
0xe: {  	[smem:$0x3FB4] =	sst s6  }
0xf: {  	[smem:$0x3FB5] =	sst s7  }
0x10: {  	[smem:$0x3FB6] =	sst s8  }
0x11: {  	[smem:$0x3FB7] =	sst s9;
	s0 =	simm.s32 @!p0 $0x0  }
0x12: {  	s1 =	sld [smem:$0x3F9D];
	s0 =	simm.s32 @p0 $0x1  }
0x13: {  	[smem:$0x3FB8] =	sst s0;
	s0 =	simm.s32 @!p1 $0x0  }
0x14: {  	s2 =	sld [smem:$0x3F9C];
	s0 =	simm.s32 @p1 $0x1  }
0x15: {  	[smem:$0x3FB9] =	sst s0;
	s0 =	simm.s32 @!p2 $0x0  }
0x16: {  	s3 =	sld [smem:$0x3FDB];
	s0 =	simm.s32 @p2 $0x1  }
0x17: {  	s4 =	simm.s32 $0x1BF5;
	[smem:$0x3FBB] =	sst s0  }
0x18: {  	s0 =	sld [smem:$0x3F9E];
	_ =	swait.ge [sflag:s4], $0x0  }
0x19: {  	s7 =	sld [smem:$0x3F9F]  }
0x1a: {  	s8 =	sadd.s32 $0xFFFFE003, lr  }
0x1b: {  	s9 =	sadd.s32 $0xFFFFFEF7, lr;
	s5 =	simm.s32 $0xFFFFFFFF;
	p2 =	slt.u32 s8, $0xFFFFF086  }
0x1c: {  	p1 =	slt.u32 s9, $0xF7A;
	s5 =	simm.s32 @!p2 $0x0  }
0x1d: {  	s5 =	simm.s32 @p1 $0x1;
	p0 =	seq.s32 s7, s2  }
0x1e: {  	s7 =	smul.u32 @!p0 $0xF7A, s2;
	p2 =	seq.s32 @!p0 s5, $0x0  }
0x1f: {  	s9 =	smul.u32 $0xF7A, s1;
	s8 =	simm.s32 @!p0 $0x1BF5;
	p2 =	por !p2, p0  }
0x20: {  	[sflag:s8] =	ssyncset.s32 @!p0 $0xFFFFF086;
	s6 =	sadd.s32 @!p0 s3, s7;
	s7 =	simm.s32 @!p0 $0x108  }
0x21: {  	s3 =	sadd.s32 s3, s9;
	s6 =	sadd.s32 @!p0 $0x88, s6;
	s7 =	simm.s32 @p2 $0x1082  }
0x22: {  	[simem:s7], [sflag:s8] =	dma.local @!p0 [hbm:s6], $0xF7A  }
0x23: {  	s9 =	sor.u32 $0xD0000000, s2;
	s6 =	simm.s32 $0x108;
	_ =	swait.ge @!p0 [sflag:s8], $0x0  }
0x24: {  	s3 =	sadd.s32 $0x88, s3;
	s6 =	simm.s32 @!p1 $0x1082;
	[sflag:s4] =	ssyncset.s32 $0xFFFFF086  }
0x25: {  	[simem:s6], [sflag:s4] =	dma.local [hbm:s3], $0xF7A  }
0x26: {  	[smem:$0x3F9F] =	sst s1;
	(tag) =	ssettag s2;
	_ =	strace s9  }
0x27: {  	s1 =	sld [smem:$0x3FAF]  }
0x28: {  	s2 =	sld [smem:$0x3FB0]  }
0x29: {  	s4 =	sld [smem:$0x3FB2]  }
0x2a: {  	p0 =	seq.s32 s5, $0x0;
	s5 =	sld [smem:$0x3FB3]  }
0x2b: {  	s6 =	sld [smem:$0x3FB4]  }
0x2c: {  	s7 =	sld [smem:$0x3FB5]  }
0x2d: {  	s3 =	simm.s32 $0x108;
	s8 =	sld [smem:$0x3FB6]  }
0x2e: {  	s3 =	simm.s32 @!p0 $0x1082;
	s9 =	sld [smem:$0x3FB7]  }
0x2f: {  	lr =	sadd.s32 s0, s3;
	s0 =	sld [smem:$0x3FAE]  }
0x30: {  	s3 =	sld [smem:$0x3FB1]  }
0x31: {  	[smem:$0x3FBA] =	sst s10  }
0x32: {  	s10 =	sld [smem:$0x3FB8];
	_ =	sdelay $0x3  }
0x33: {  	p0 =	seq.s32 s10, $0x1;
	s10 =	sld [smem:$0x3FBA];
	_ =	sdelay $0x3  }
0x34: {  	[smem:$0x3FBA] =	sst s10  }
0x35: {  	s10 =	sld [smem:$0x3FB9];
	_ =	sdelay $0x3  }
0x36: {  	p1 =	seq.s32 s10, $0x1;
	s10 =	sld [smem:$0x3FBA];
	_ =	sdelay $0x3  }
0x37: {  	[smem:$0x3FBA] =	sst s10  }
0x38: {  	s10 =	sld [smem:$0x3FBB]  }
0x39: {  	_ = 	snop;
	(pc) =	sbr.ind lr, $3  }
0x3a: {  	_ = 	snop  }
0x3b: {  	_ = 	snop  }
0x3c: {  	p2 =	seq.s32 s10, $0x1;
	s10 =	sld [smem:$0x3FBA]  }
0x3d: {  	_ =	shalt  }
0x3e: {  	_ =	shalt  }
0x3f: {  	_ =	shalt  }
0x40: {  	_ =	shalt  }
0x41: {  	_ =	shalt  }
0x42: {  	_ =	shalt  }
0x43: {  	_ =	shalt  }
0x44: {  	_ =	shalt  }
0x45: {  	_ =	shalt  }
0x46: {  	_ =	shalt  }
0x47: {  	_ =	shalt  }
0x48: {  	_ =	shalt  }
0x49: {  	_ =	shalt  }
0x4a: {  	_ =	shalt  }
0x4b: {  	_ =	shalt  }
0x4c: {  	_ =	shalt  }
0x4d: {  	_ =	shalt  }
0x4e: {  	_ =	shalt  }
0x4f: {  	_ =	shalt  }
0x50: {  	_ =	shalt  }
0x51: {  	_ =	shalt  }
0x52: {  	_ =	shalt  }
0x53: {  	_ =	shalt  }
0x54: {  	_ =	shalt  }
0x55: {  	_ =	shalt  }
0x56: {  	_ =	shalt  }
0x57: {  	_ =	shalt  }
0x58: {  	_ =	shalt  }
0x59: {  	_ =	shalt  }
0x5a: {  	_ =	shalt  }
0x5b: {  	_ =	shalt  }
0x5c: {  	_ =	shalt  }
0x5d: {  	_ =	shalt  }
0x5e: {  	_ =	shalt  }
0x5f: {  	_ =	shalt  }
0x60: {  	_ =	shalt  }
0x61: {  	_ =	shalt  }
0x62: {  	_ =	shalt  }
0x63: {  	_ =	shalt  }
0x64: {  	_ =	shalt  }
0x65: {  	_ =	shalt  }
0x66: {  	_ =	shalt  }
0x67: {  	_ =	shalt  }
0x68: {  	_ =	shalt  }
0x69: {  	_ =	shalt  }
0x6a: {  	_ =	shalt  }
0x6b: {  	_ =	shalt  }
0x6c: {  	_ =	shalt  }
0x6d: {  	_ =	shalt  }
0x6e: {  	_ =	shalt  }
0x6f: {  	_ =	shalt  }
0x70: {  	_ =	shalt  }
0x71: {  	_ =	shalt  }
0x72: {  	_ =	shalt  }
0x73: {  	_ =	shalt  }
0x74: {  	_ =	shalt  }
0x75: {  	_ =	shalt  }
0x76: {  	_ =	shalt  }
0x77: {  	_ =	shalt  }
0x78: {  	_ =	shalt  }
0x79: {  	_ =	shalt  }
0x7a: {  	_ =	shalt  }
0x7b: {  	_ =	shalt  }
0x7c: {  	_ =	shalt  }
0x7d: {  	_ =	shalt  }
0x7e: {  	_ =	shalt  }
0x7f: {  	_ =	shalt  }
0x80: {  	_ =	shalt  }
0x81: {  	_ =	shalt  }
0x82: {  	_ =	shalt  }
0x83: {  	_ =	shalt  }
0x84: {  	_ =	shalt  }
0x85: {  	_ =	shalt  }
0x86: {  	_ =	shalt  }
0x87: {  	_ =	shalt  }
.Lfunc_end0:
.L_simem_size_0:
called_computation_lowered:
.L_overlay_start_0:
0x88: {  	s2 =	sld [smem:$0x3FD9]  }
0x89: {  	s3 =	sld [smem:$0x3FFE];
	_ =	sdelay $0x1  }
0x8a: {  	s1 =	srdreg.scid  }
0x8b: {  	s0 =	sand.u32 $0x1, s1  }
0x8c: {  	s17 =	sshll.u32 s0, $0xA;
	s2 =	sadd.s32 s3, s2  }
0x8d: {  	s2 =	sadd.s32 s2, s17  }
0x8e: {  	[smem:$0x3FC6] =	sst s2  }
0x8f: {  	_ = 	snop  }
0x90: {  	s2 =	sld [smem:$0x3FD0];
	(tm) =	ssettm $0x1  }
0x91: {  	s18 =	sld [smem:$0x3FFB];
	_ =	sdelay $0x3  }
0x92: {  	_ =	strace s18  }
0x93: {  	s3 =	sld [smem:$0x3FFC];
	_ =	sdelay $0x3  }
0x94: {  	_ =	strace s3  }
0x95: {  	s3 =	sld [smem:$0x3FFD];
	_ =	sdelay $0x3  }
0x96: {  	_ =	strace s3  }
0x97: {  	_ =	strace $0x8FFFFFFF  }
0x98: {  	s19 =	sld [smem:$0x3FDB];
	_ =	sdelay $0x1  }
0x99: {  	s4 =	simm.s32 $_scs_section_size  }
0x9a: {  	s5 =	simm.s32 $_size__tile_overlayer_lowered;
	s6 =	simm.s32 $_tile_overlayer_lowered  }
0x9b: {  	s22 =	simm.s32 $0x1BFF;
	s21 =	sshll.u32 s6, $0x1;
	s3 =	sadd.s32 s4, s19  }
0x9c: {  	s7 =	simm.s32 $0x0;
	s20 =	sshll.u32 s5, $0x1;
	s5 =	sadd.s32 s21, s3  }
0x9d: {  	[timem:s7], [sflag:s22] =	dma.local [hbm:s5], s20  }
0x9e: {  	_ =	swait.ge [sflag:s22], s20  }
0x9f: {  	s4 =	ssub.s32 $0x0, s20;
	[sflag:s22] =	ssyncset.done $0x0  }
0xa0: {  	[sflag:s22] =	ssyncadd.s32 s4;
	_ =	sdelay $0x1  }
0xa1: {  	s23 =	simm.s32 $0x1B8B  }
0xa2: {  	_ =	swait.ge [sflag:s23], $0x1  }
0xa3: {  	[sflag:s23] =	ssyncset.done $0x0  }
0xa4: {  	s25 =	simm.s32 $0x1B8E;
	s24 =	sld [smem:$0x3FFE];
	[sflag:s23] =	ssyncadd.s32 $0xFFFFFFFF  }
0xa5: {  	s26 =	simm.s32 $execute0_lowered;
	[smem:$0x3FD2] =	sst s25  }
0xa6: {  	s5 =	sshll.u32 s26, $0x1;
	_ =	strace $0x80000046;
	[dreg:$0x1] =	wrdreg $0xFFFFFFFF  }
0xa7: {  	s28 =	simm.s32 $_size_execute0_lowered;
	s3 =	sadd.s32 s3, s5;
	[dreg:$0x0] =	wrdreg $0x0  }
0xa8: {  	s5 =	sshll.u32 s28, $0x1;
	[dreg:$0x2] =	wrdreg s3  }
0xa9: {  	[dreg:$0x3] =	wrdreg s5  }
0xaa: {  	[dreg:$0x4] =	wrdreg $0xC0  }
0xab: {  	_ =	task [dreg:s7], $0x5FFFF  }
0xac: {  	[dreg:$0x1] =	wrdreg $0xFFFFFFFF  }
0xad: {  	[dreg:$0x0] =	wrdreg $0x60  }
0xae: {  	[dreg:$0x2] =	wrdreg s2  }
0xaf: {  	[dreg:$0x3] =	wrdreg s24  }
0xb0: {  	[dreg:$0x4] =	wrdreg $0x9  }
0xb1: {  	_ =	task.clear_ibuf [dreg:s7], $0x5FFFF;
	_ =	strace $0x90000046  }
0xb2: {  	s29 =	simm.s32 $0x9;
	_ =	strace $0x80000048  }
0xb3: {  	_ =	swait.ge [sflag:s29], $0x1  }
0xb4: {  	[sflag:s29] =	ssyncadd.s32 $0xFFFFFFFF  }
0xb5: {  	_ =	strace $0x90000048  }
0xb6: {  	_ =	sfence  }
0xb7: {  	s30 =	sld [smem:$0x0];
	_ =	sdelay $0x2  }
0xb8: {  	s31 =	sshll.u32 s1, $0xD;
	s1 =	sshrl.u32 s1, $0x2  }
0xb9: {  	s3 =	sand.u32 $0x4000, s31;
	s1 =	sadd.s32 s1, s30  }
0xba: {  	s0 =	sor.u32 s3, s0;
	s1 =	sshll.u32 s1, $0x11  }
0xbb: {  	s0 =	sor.u32 s1, s0  }
0xbc: {  	s0 =	sadd.s32 $0x8F2B, s0  }
0xbd: {  	[sflag:s0] =	ssyncadd.remote.s32 $0x1  }
0xbe: {  	_ =	sfence.sel $0xFFFF  }
0xbf: {  	[dreg:$0x0] =	wrdreg $0xFFFFFFFF;
	(pc) =	sbr.abs _section_cstart, $3  }
0xc0: {  	[dreg:$0x1] =	wrdreg $0xFFFFFFFF  }
0xc1: {  	_ =	task.clear_ibuf [dreg:s7], $0x2FFFF;
	_ =	strace $0x9FFFFFFF  }
0xc2: {  	(tm) =	ssettm $0x7FFFFFFF  }
0xc3: {  	_ =	shalt  }
tec
execute0_lowered:
.L_overlay_start_1:
0x0: {  	(tag) =	ssettag $0x1  }
0x1: {  	s0 =	srdreg.scid;
	s11 =	rddreg [dreg:$0x0]  }
0x2: {  	s3 =	stileid.u32;
	s6 =	rddreg [dreg:$0x1];
	s0 =	sand.u32 $0x1, s0  }
0x3: {  	s1 =	sshll.u32 s3, $0x1;
	s8 =	sshrl.u32 s3, $0x1;
	s24 =	smul.u32 $0x24C000, s3  }
0x4: {  	s4 =	simm.s32 $0x0;
	s1 =	sor.u32 s0, s1;
	s8 =	smul.u32 $0x188000, s8  }
0x5: {  	s19 =	simm.s32 $0x1;
	s20 =	simm.s32 $0x3;
	s2 =	smul.u32 $0x1C, s1  }
0x6: {  	s21 =	simm.s32 $0xE000;
	s22 =	simm.s32 $0x2;
	s1 =	smul.u32 $0x8014, s1  }
0x7: {  	s23 =	ssub.s32 $0x2, s0;
	s0 =	smul.u32 $0x126000, s0;
	s5 =	sor.u32 $0x1, s2  }
0x8: {  	[smem:$0x7FF] =	sst s4;
	s1 =	sshrl.u32 s1, $0x11;
	s7 =	smul.u32 $0x493, s5  }
0x9: {  	s12 =	smov.u32 s11;
	_ =	strace $0x80000047;
	s1 =	smul.u32 $0x70, s1  }
0xa: {  	s10 =	sshrl.u32 s23, $0x1;
	s13 =	sadd.s32 s0, s24;
	s7 =	sshrl.u32 s7, $0x11  }
0xb: {  	s24 =	simm.s32 $0x5;
	s1 =	ssub.s32 s2, s1;
	s7 =	smul.u32 $0x70, s7  }
0xc: {  	s29 =	sor.u32 $0x3, s2;
	s31 =	sor.u32 $0x30, s13;
	s1 =	sand.u32 $0xFFFC, s1  }
0xd: {  	[dreg:$0x7] =	wrdreg s29;
	s1 =	smul.u32 $0x3800, s1;
	s5 =	ssub.s32 s5, s7  }
0xe: {  	[dreg:$0x9] =	wrdreg s31;
	s7 =	ssub.s32 s23, s10;
	s9 =	sand.u32 $0xFFFD, s5  }
0xf: {  	s1 =	sadd.s32 s8, s1;
	s30 =	smax.u32 s7, $0x1;
	s9 =	smul.u32 $0x3800, s9  }
0x10: {  	s5 =	sadd.s32 $0x400, s6;
	s1 =	sshrl.u32 s1, $0x3;
	[dreg:$0x8] =	wrdreg s30  }
.Ltmp0:
0x11: {  	s25 =	sadd.s32 s11, s1;
	s8 =	sadd.s32 s8, s9;
	(pc) =	sbr.rel .LBB2_1-.Ltmp0, $4  }
0x12: {  	s1 =	sadd.s32 s5, s1;
	[dreg:$0x3] =	wrdreg s25;
	s8 =	sshrl.u32 s8, $0x3  }
0x13: {  	s23 =	simm.s32 $0x4;
	[dreg:$0x4] =	wrdreg s1;
	s26 =	sadd.s32 s11, s8  }
0x14: {  	s6 =	sadd.s32 $0x188400, s6;
	s28 =	sadd.s32 s5, s8;
	[dreg:$0x5] =	wrdreg s26  }
0x15: {  	v0 =	vlaneseq.u32;
	s1 =	simm.s32 $0x0;
	s11 =	sor.u32 $0x2, s2;
	[dreg:$0x6] =	wrdreg s28  }
.LBB2_8:
0x16: {  	_ =	swait.ge [sflag:s24], $0xE000  }
0x17: {  	s1 =	rddreg [dreg:$0xa]  }
0x18: {  	s0 =	rddreg [dreg:$0x8];
	s1 =	sadd.s32 $0x1, s1  }
0x19: {  	p0 =	sne.s32 s1, s0  }
.Ltmp1:
0x1a: {  	_ = 	snop;
	(pc) =	sbr.rel @!p0 .LBB2_9-.Ltmp1, $3  }
0x1b: {  	_ =	sdelay $0x1  }
0x1c: {  	[sflag:s24] =	ssyncset.done $0x0  }
0x1d: {  	[sflag:s24] =	ssyncadd.s32 $0xFFFF2000  }
.LBB2_1:
0x1e: {  	[dreg:$0xa] =	wrdreg s1  }
0x1f: {  	s0 =	rddreg [dreg:$0x3]  }
0x20: {  	s18 =	rddreg [dreg:$0x4]  }
0x21: {  	[tilespmem:s4], [sflag:$0x1] =	stream.linear.gather [hbm4b:s0+s4], $0x3800, $0x38;
	[tilespmem:$0x1C000] =	vst v63  }
0x22: {  	s25 =	simm.s32 $0x7000;
	s26 =	rddreg [dreg:$0x5]  }
0x23: {  	[tilespmem:s25], [sflag:$0x3] =	stream.linear.gather [hbm4b:s18+s4], $0x3800, $0x38;
	[tilespmem:$0x1C000] =	vst v63  }
0x24: {  	s28 =	simm.s32 $0x3800;
	s30 =	rddreg [dreg:$0x6];
	s31 =	simm.s32 $0xA800  }
0x25: {  	[tilespmem:s28], [sflag:$0x2] =	stream.linear.gather [hbm4b:s26+s4], $0x3800, $0x38;
	[tilespmem:$0x1C000] =	vst v63  }
0x26: {  	s29 =	simm.s32 $0x0;
	s25 =	rddreg [dreg:$0x9];
	s26 =	simm.s32 $0x0  }
0x27: {  	[tilespmem:s31], [sflag:$0x4] =	stream.linear.gather [hbm4b:s30+s4], $0x3800, $0x38;
	[tilespmem:$0x1C000] =	vst v63  }
.LBB2_2:
0x28: {  	_ =	swait.ge [sflag:s19], $0x3800  }
0x29: {  	[sflag:s19] =	ssyncset.done $0x0  }
0x2a: {  	[sflag:s19] =	ssyncadd.s32 $0xFFFFC800  }
0x2b: {  	_ =	swait.ge [sflag:s20], $0x3800  }
0x2c: {  	p0 =	seq.s32 s29, $0x0;
	[sflag:s20] =	ssyncset.done $0x0  }
0x2d: {  	s0 =	simm.s32 @!p0 $0x5;
	[sflag:s20] =	ssyncadd.s32 $0xFFFFC800  }
0x2e: {  	_ =	swait.ge @!p0 [sflag:s0], $0xE000  }
0x2f: {  	[sflag:s0] =	ssyncset.done @!p0 $0x0  }
0x30: {  	s1 =	simm.s32 $0x7030;
	[sflag:s0] =	ssyncadd.s32 @!p0 $0xFFFF2000  }
0x31: {  	s0 =	simm.s32 $0x30;
	v1 =	vld [tilespmem:s1+$0xFFFFFFD0]  }
0x32: {  	v2 =	vld [tilespmem:s0+$0xFFFFFFD0];
	_ =	sdelay $0x1  }
0x33: {  	s7 =	sadd.s32 $0xFFFFFFD0, s25  }
0x34: {  	v3 =	vor.u32 s7, v0  }
0x35: {  	v4 =	vsub.s32 v1, v3;
	vm0 =	veq.s32 v1, v3  }
0x36: {  	s31 =	simm.s32 $0x0;
	v1 =	vnsel vm0, $0x0, v2;
	vm14 =	veq.s32 v4, $0x5460  }
0x37: {  	vm1 =	veq.s32 v4, $0x60;
	[tilespmem:s31+$0xE000] =	vst v1;
	v1 =	vnsel vm14, $0x0, v2  }
0x38: {  	vm15 =	veq.s32 v4, $0x5400;
	v3 =	vnsel vm1, $0x0, v2;
	[tilespmem:s31+$0x15080] =	vst v1  }
0x39: {  	v1 =	vnsel vm15, $0x0, v2;
	[tilespmem:s31+$0xE080] =	vst v3  }
0x3a: {  	[tilespmem:s31+$0x15000] =	vst v1  }
0x3b: {  	v1 =	vld [tilespmem:s1+$0xFFFFFFE0]  }
0x3c: {  	v2 =	vld [tilespmem:s0+$0xFFFFFFE0];
	_ =	sdelay $0x1  }
0x3d: {  	s16 =	sadd.s32 $0xFFFFFFE0, s25  }
0x3e: {  	v3 =	vor.u32 s16, v0  }
0x3f: {  	v59 =	vsub.s32 v1, v3;
	vm6 =	veq.s32 v1, v3  }
0x40: {  	vm4 =	veq.s32 v59, $0x5400;
	v3 =	vnsel vm6, $0x0, v2  }
0x41: {  	vm5 =	veq.s32 v59, $0x5460;
	v5 =	vnsel vm4, $0x0, v2;
	[tilespmem:s31+$0xE010] =	vst v3  }
0x42: {  	vm7 =	veq.s32 v59, $0x60;
	v1 =	vnsel vm5, $0x0, v2;
	[tilespmem:s31+$0x15010] =	vst v5  }
0x43: {  	[tilespmem:s31+$0x15090] =	vst v1;
	v1 =	vnsel vm7, $0x0, v2  }
0x44: {  	[tilespmem:s31+$0xE090] =	vst v1  }
0x45: {  	v1 =	vld [tilespmem:s1+$0xFFFFFFF0]  }
0x46: {  	v2 =	vld [tilespmem:s0+$0xFFFFFFF0];
	_ =	sdelay $0x1  }
0x47: {  	s17 =	sadd.s32 $0xFFFFFFF0, s25  }
0x48: {  	v3 =	vor.u32 s17, v0  }
0x49: {  	v60 =	vsub.s32 v1, v3;
	vm10 =	veq.s32 v1, v3  }
0x4a: {  	vm8 =	veq.s32 v60, $0x60;
	v3 =	vnsel vm10, $0x0, v2  }
0x4b: {  	vm9 =	veq.s32 v60, $0x5400;
	v61 =	vnsel vm8, $0x0, v2;
	[tilespmem:s31+$0xE020] =	vst v3  }
0x4c: {  	vm11 =	veq.s32 v60, $0x5460;
	v1 =	vnsel vm9, $0x0, v2;
	[tilespmem:s31+$0xE0A0] =	vst v61  }
0x4d: {  	[tilespmem:s31+$0x15020] =	vst v1;
	v1 =	vnsel vm11, $0x0, v2  }
0x4e: {  	[tilespmem:s31+$0x150A0] =	vst v1  }
0x4f: {  	v1 =	vld [tilespmem:s1+$0x0]  }
0x50: {  	v2 =	vld [tilespmem:s0+$0x0]  }
0x51: {  	s30 =	sshll.u32 s29, $0x1  }
0x52: {  	s18 =	sadd.s32 s2, s30  }
0x53: {  	s8 =	smulhi.u32 $0x92492493, s18;
	v3 =	vor.u32 s25, v0  }
0x54: {  	v62 =	vsub.s32 v1, v3;
	vm14 =	veq.s32 v1, v3  }
0x55: {  	s16 =	sshrl.u32 s8, $0x6;
	vm12 =	veq.s32 v62, $0x60;
	v3 =	vnsel vm14, $0x0, v2  }
0x56: {  	s14 =	sadd.s32 $0x10, s25;
	s8 =	smul.u32 $0x70, s16;
	vm13 =	veq.s32 v62, $0x5400;
	v63 =	vnsel vm12, $0x0, v2;
	[tilespmem:s31+$0xE030] =	vst v3  }
0x57: {  	s15 =	simm.s32 $0x400;
	s28 =	smov.u32 s25;
	s9 =	simm.s32 $0x7030;
	vm15 =	veq.s32 v62, $0x5460;
	v1 =	vnsel vm13, $0x0, v2;
	[tilespmem:s31+$0xE0B0] =	vst v63  }
0x58: {  	s10 =	simm.s32 $0x30;
	s7 =	ssub.s32 s18, s8;
	s8 =	sadd.s32 $0x20, s25;
	[tilespmem:s31+$0x15030] =	vst v1;
	v1 =	vnsel vm15, $0x0, v2  }
.LBB2_3:
0x59: {  	s28 =	sadd.s32 $0xC0, s28  }
0x5a: {  	[tilespmem:s31+$0x150B0] =	vst v1;
	s0 =	sadd.s32 $0x80, s0;
	s1 =	sadd.s32 $0x80, s1;
	s17 =	smov.u32 s15  }
0x5b: {  	p0 =	sne.s32 s15, $0x1BC00;
	s15 =	sadd.s32 $0x400, s15;
	s18 =	sadd.s32 $0x10, s28;
	v1 =	vld [tilespmem:s9+$0x10]  }
0x5c: {  	s3 =	sadd.s32 $0x20, s28;
	v2 =	vld [tilespmem:s10+$0x10];
	_ =	sdelay $0x2  }
0x5d: {  	v3 =	vor.u32 s14, v0;
	s14 =	smov.u32 s18  }
0x5e: {  	v4 =	vsub.s32 v1, v3;
	vm0 =	veq.s32 v1, v3  }
0x5f: {  	vm1 =	veq.s32 v4, $0x60;
	vm2 =	veq.s32 v4, $0x5400;
	vm3 =	veq.s32 v4, $0x5460  }
0x60: {  	v1 =	vnsel vm1, $0x0, v2;
	v3 =	vnsel vm2, $0x0, v2;
	v4 =	vnsel vm3, $0x0, v2  }
0x61: {  	v2 =	vnsel vm0, $0x0, v2;
	[tilespmem:s31+$0xE0C0] =	vst v1  }
0x62: {  	[tilespmem:s31+$0x150C0] =	vst v4  }
0x63: {  	[tilespmem:s31+$0xE040] =	vst v2  }
0x64: {  	[tilespmem:s31+$0x15040] =	vst v3  }
0x65: {  	v1 =	vld [tilespmem:s9+$0x20];
	s9 =	smov.u32 s1  }
0x66: {  	v2 =	vld [tilespmem:s10+$0x20];
	s10 =	smov.u32 s0;
	_ =	sdelay $0x2  }
0x67: {  	v3 =	vor.u32 s8, v0;
	s8 =	smov.u32 s3  }
0x68: {  	v4 =	vsub.s32 v1, v3;
	vm0 =	veq.s32 v1, v3  }
0x69: {  	v1 =	vnsel vm0, $0x0, v2;
	vm0 =	veq.s32 v4, $0x60;
	vm1 =	veq.s32 v4, $0x5400  }
0x6a: {  	[tilespmem:s31+$0xE050] =	vst v1;
	v1 =	vnsel vm0, $0x0, v2;
	v3 =	vnsel vm1, $0x0, v2;
	vm0 =	veq.s32 v4, $0x5460  }
0x6b: {  	[tilespmem:s31+$0x15050] =	vst v3;
	v2 =	vnsel vm0, $0x0, v2  }
0x6c: {  	[tilespmem:s31+$0xE0D0] =	vst v1  }
0x6d: {  	[tilespmem:s31+$0x150D0] =	vst v2  }
0x6e: {  	v1 =	vld [tilespmem:s1+$0xFFFFFFD0]  }
0x6f: {  	v2 =	vld [tilespmem:s0+$0xFFFFFFD0];
	_ =	sdelay $0x1  }
0x70: {  	s3 =	sadd.s32 $0xFFFFFFD0, s28  }
0x71: {  	v3 =	vor.u32 s3, v0  }
0x72: {  	v4 =	vsub.s32 v1, v3;
	vm0 =	veq.s32 v1, v3  }
0x73: {  	s31 =	sshra.s32 s17, $0x2;
	v1 =	vnsel vm0, $0x0, v2;
	vm0 =	veq.s32 v4, $0x5400;
	vm1 =	veq.s32 v4, $0x5460  }
0x74: {  	vm2 =	veq.s32 v4, $0x60;
	[tilespmem:s31+$0xE000] =	vst v1;
	v1 =	vnsel vm0, $0x0, v2;
	v3 =	vnsel vm1, $0x0, v2  }
0x75: {  	v2 =	vnsel vm2, $0x0, v2;
	[tilespmem:s31+$0x15080] =	vst v3  }
0x76: {  	[tilespmem:s31+$0xE080] =	vst v2  }
0x77: {  	[tilespmem:s31+$0x15000] =	vst v1  }
0x78: {  	v1 =	vld [tilespmem:s1+$0xFFFFFFE0];
	_ =	sdelay $0x1  }
0x79: {  	v2 =	vld [tilespmem:s0+$0xFFFFFFE0]  }
0x7a: {  	s3 =	sadd.s32 $0xFFFFFFE0, s28  }
0x7b: {  	v3 =	vor.u32 s3, v0  }
0x7c: {  	v4 =	vsub.s32 v1, v3;
	vm0 =	veq.s32 v1, v3  }
0x7d: {  	vm1 =	veq.s32 v4, $0x60;
	vm2 =	veq.s32 v4, $0x5400;
	vm3 =	veq.s32 v4, $0x5460  }
0x7e: {  	v1 =	vnsel vm1, $0x0, v2;
	v3 =	vnsel vm2, $0x0, v2;
	v4 =	vnsel vm3, $0x0, v2  }
0x7f: {  	v2 =	vnsel vm0, $0x0, v2;
	[tilespmem:s31+$0x15010] =	vst v3  }
0x80: {  	[tilespmem:s31+$0x15090] =	vst v4  }
0x81: {  	[tilespmem:s31+$0xE010] =	vst v2  }
0x82: {  	[tilespmem:s31+$0xE090] =	vst v1  }
0x83: {  	v1 =	vld [tilespmem:s1+$0xFFFFFFF0]  }
0x84: {  	v2 =	vld [tilespmem:s0+$0xFFFFFFF0];
	_ =	sdelay $0x1  }
0x85: {  	s3 =	sadd.s32 $0xFFFFFFF0, s28  }
0x86: {  	v3 =	vor.u32 s3, v0  }
0x87: {  	v4 =	vsub.s32 v1, v3;
	vm0 =	veq.s32 v1, v3  }
0x88: {  	vm1 =	veq.s32 v4, $0x60;
	vm2 =	veq.s32 v4, $0x5400;
	vm3 =	veq.s32 v4, $0x5460  }
0x89: {  	v1 =	vnsel vm0, $0x0, v2;
	v3 =	vnsel vm1, $0x0, v2;
	v4 =	vnsel vm2, $0x0, v2  }
0x8a: {  	v2 =	vnsel vm3, $0x0, v2;
	[tilespmem:s31+$0xE0A0] =	vst v3  }
0x8b: {  	[tilespmem:s31+$0x15020] =	vst v4  }
0x8c: {  	[tilespmem:s31+$0xE020] =	vst v1  }
0x8d: {  	[tilespmem:s31+$0x150A0] =	vst v2  }
0x8e: {  	v1 =	vld [tilespmem:s1+$0x0]  }
0x8f: {  	v2 =	vld [tilespmem:s0+$0x0];
	_ =	sdelay $0x2  }
0x90: {  	v3 =	vor.u32 s28, v0  }
0x91: {  	v4 =	vsub.s32 v1, v3;
	vm0 =	veq.s32 v1, v3  }
.Ltmp2:
0x92: {  	vm1 =	veq.s32 v4, $0x60;
	vm2 =	veq.s32 v4, $0x5400;
	vm3 =	veq.s32 v4, $0x5460;
	(pc) =	sbr.rel @p0 .LBB2_3-.Ltmp2, $4  }
0x93: {  	v3 =	vnsel vm1, $0x0, v2;
	v4 =	vnsel vm2, $0x0, v2;
	v1 =	vnsel vm3, $0x0, v2  }
0x94: {  	v2 =	vnsel vm0, $0x0, v2;
	[tilespmem:s31+$0xE0B0] =	vst v3  }
0x95: {  	[tilespmem:s31+$0x15030] =	vst v4  }
0x96: {  	[tilespmem:s31+$0xE030] =	vst v2  }
0x97: {  	[tilespmem:s31+$0x150B0] =	vst v1  }
0x98: {  	v1 =	vld [tilespmem:s9+$0x10]  }
0x99: {  	v2 =	vld [tilespmem:s10+$0x10];
	_ =	sdelay $0x2  }
0x9a: {  	v3 =	vor.u32 s14, v0  }
0x9b: {  	v4 =	vsub.s32 v1, v3;
	vm10 =	veq.s32 v1, v3  }
0x9c: {  	vm0 =	veq.s32 v4, $0x60;
	v3 =	vnsel vm10, $0x0, v2  }
0x9d: {  	vm1 =	veq.s32 v4, $0x5460;
	v5 =	vnsel vm0, $0x0, v2;
	[tilespmem:s31+$0xE040] =	vst v3  }
0x9e: {  	vm11 =	veq.s32 v4, $0x5400;
	v1 =	vnsel vm1, $0x0, v2;
	[tilespmem:s31+$0xE0C0] =	vst v5  }
0x9f: {  	[tilespmem:s31+$0x150C0] =	vst v1;
	v1 =	vnsel vm11, $0x0, v2  }
0xa0: {  	p0 =	seq.s32 s29, $0xD;
	[tilespmem:s31+$0x15040] =	vst v1  }
0xa1: {  	s0 =	sadd.s32 @!p0 s30, s11;
	v1 =	vld [tilespmem:s9+$0x20]  }
0xa2: {  	s1 =	smulhi.u32 @!p0 $0x92492493, s0;
	v2 =	vld [tilespmem:s10+$0x20];
	_ =	sdelay $0x1  }
0xa3: {  	s3 =	smul.u32 $0x620000, s16;
	s1 =	sshrl.u32 @!p0 s1, $0x6  }
0xa4: {  	v3 =	vor.u32 s8, v0;
	s8 =	smul.u32 @!p0 $0x70, s1  }
0xa5: {  	s7 =	smul.u32 $0xE000, s7;
	v63 =	vsub.s32 v1, v3;
	vm12 =	veq.s32 v1, v3  }
0xa6: {  	s1 =	smul.u32 @!p0 $0x188000, s1;
	s0 =	ssub.s32 @!p0 s0, s8;
	v1 =	vnsel vm12, $0x0, v2;
	vm13 =	veq.s32 v63, $0x5400  }
0xa7: {  	s0 =	smul.u32 @!p0 $0x3800, s0;
	vm14 =	veq.s32 v63, $0x60;
	[tilespmem:s31+$0xE050] =	vst v1;
	v1 =	vnsel vm13, $0x0, v2  }
0xa8: {  	s3 =	sadd.s32 s7, s3;
	vm15 =	veq.s32 v63, $0x5460;
	v3 =	vnsel vm14, $0x0, v2;
	[tilespmem:s31+$0x15050] =	vst v1  }
0xa9: {  	s3 =	sshrl.u32 s3, $0x3;
	s0 =	sadd.s32 @!p0 s0, s1;
	v1 =	vnsel vm15, $0x0, v2;
	[tilespmem:s31+$0xE0D0] =	vst v3  }
0xaa: {  	s3 =	sadd.s32 s6, s3;
	s0 =	sshrl.u32 @!p0 s0, $0x3;
	[tilespmem:s31+$0x150D0] =	vst v1  }
0xab: {  	[hbm4b:s3+s4] =	stream.linear.scatter [tilespmem:s21], [sflag:$0x5], $0xE000, $0x38;
	[tilespmem:$0x1C000] =	vst v63  }
0xac: {  	s17 =	sadd.s32 s30, s2;
	s1 =	sadd.s32 @!p0 s12, s0;
	s3 =	simm.s32 @!p0 $0x0  }
0xad: {  	[tilespmem:s3], [sflag:$0x1] =	stream.linear.gather @!p0 [hbm4b:s1+s3], $0x3800, $0x38;
	[tilespmem:$0x1C000] =	vst v63  }
0xae: {  	s1 =	sadd.s32 $0x1, s17  }
0xaf: {  	s7 =	simm.s32 @!p0 $0x7000;
	s0 =	sadd.s32 @!p0 s5, s0;
	s18 =	smulhi.u32 $0x92492493, s1  }
0xb0: {  	[tilespmem:s7], [sflag:$0x3] =	stream.linear.gather @!p0 [hbm4b:s0+s3], $0x3800, $0x38;
	[tilespmem:$0x1C000] =	vst v63  }
0xb1: {  	_ =	swait.ge [sflag:s22], $0x3800;
	s28 =	sshrl.u32 s18, $0x6  }
0xb2: {  	[sflag:s22] =	ssyncset.done $0x0;
	s31 =	smul.u32 $0x70, s28  }
0xb3: {  	[sflag:s22] =	ssyncadd.s32 $0xFFFFC800  }
0xb4: {  	s0 =	smul.u32 $0x620000, s28;
	_ =	swait.ge [sflag:s23], $0x3800;
	s1 =	ssub.s32 s1, s31  }
0xb5: {  	[sflag:s23] =	ssyncset.done $0x0;
	s1 =	smul.u32 $0xE000, s1  }
0xb6: {  	s8 =	simm.s32 $0x3850;
	[sflag:s23] =	ssyncadd.s32 $0xFFFFC800  }
0xb7: {  	s9 =	smov.u32 s26;
	s0 =	sadd.s32 s1, s0;
	_ =	swait.ge [sflag:s24], $0xE000  }
0xb8: {  	s7 =	simm.s32 $0xA850;
	s0 =	sshrl.u32 s0, $0x3;
	[sflag:s24] =	ssyncset.done $0x0  }
0xb9: {  	s1 =	simm.s32 $0x0;
	s0 =	sadd.s32 s6, s0;
	[sflag:s24] =	ssyncadd.s32 $0xFFFF2000  }
.LBB2_5:
0xba: {  	v1 =	vld [tilespmem:s7+$0xFFFFFFB0]  }
0xbb: {  	v2 =	vld [tilespmem:s8+$0xFFFFFFB0]  }
0xbc: {  	s14 =	sadd.s32 s9, s13  }
0xbd: {  	s3 =	sadd.s32 $0xA800, s14  }
0xbe: {  	v3 =	vor.u32 s3, v0  }
0xbf: {  	v4 =	vsub.s32 v1, v3;
	vm0 =	veq.s32 v1, v3  }
0xc0: {  	s10 =	sshra.s32 s1, $0x2;
	v1 =	vnsel vm0, $0x0, v2;
	vm5 =	veq.s32 v4, $0x60  }
0xc1: {  	vm6 =	veq.s32 v4, $0x5400;
	[tilespmem:s10+$0xE000] =	vst v1;
	v1 =	vnsel vm5, $0x0, v2  }
0xc2: {  	vm7 =	veq.s32 v4, $0x5460;
	[tilespmem:s10+$0xE080] =	vst v1;
	v1 =	vnsel vm6, $0x0, v2  }
0xc3: {  	[tilespmem:s10+$0x15000] =	vst v1;
	v1 =	vnsel vm7, $0x0, v2  }
0xc4: {  	[tilespmem:s10+$0x15080] =	vst v1  }
0xc5: {  	v1 =	vld [tilespmem:s7+$0xFFFFFFC0]  }
0xc6: {  	v2 =	vld [tilespmem:s8+$0xFFFFFFC0];
	_ =	sdelay $0x1  }
0xc7: {  	s16 =	sadd.s32 $0xA810, s14  }
0xc8: {  	v3 =	vor.u32 s16, v0  }
0xc9: {  	v59 =	vsub.s32 v1, v3;
	vm8 =	veq.s32 v1, v3  }
0xca: {  	v1 =	vnsel vm8, $0x0, v2;
	vm9 =	veq.s32 v59, $0x60  }
0xcb: {  	vm10 =	veq.s32 v59, $0x5400;
	[tilespmem:s10+$0xE010] =	vst v1;
	v1 =	vnsel vm9, $0x0, v2  }
0xcc: {  	vm11 =	veq.s32 v59, $0x5460;
	[tilespmem:s10+$0xE090] =	vst v1;
	v1 =	vnsel vm10, $0x0, v2  }
0xcd: {  	[tilespmem:s10+$0x15010] =	vst v1;
	v1 =	vnsel vm11, $0x0, v2  }
0xce: {  	[tilespmem:s10+$0x15090] =	vst v1  }
0xcf: {  	v1 =	vld [tilespmem:s7+$0xFFFFFFD0]  }
0xd0: {  	v2 =	vld [tilespmem:s8+$0xFFFFFFD0];
	_ =	sdelay $0x1  }
0xd1: {  	s17 =	sadd.s32 $0xA820, s14  }
0xd2: {  	v3 =	vor.u32 s17, v0  }
0xd3: {  	v60 =	vsub.s32 v1, v3;
	vm12 =	veq.s32 v1, v3  }
0xd4: {  	v1 =	vnsel vm12, $0x0, v2;
	vm13 =	veq.s32 v60, $0x60  }
0xd5: {  	vm14 =	veq.s32 v60, $0x5400;
	[tilespmem:s10+$0xE020] =	vst v1;
	v1 =	vnsel vm13, $0x0, v2  }
0xd6: {  	vm15 =	veq.s32 v60, $0x5460;
	[tilespmem:s10+$0xE0A0] =	vst v1;
	v1 =	vnsel vm14, $0x0, v2  }
0xd7: {  	[tilespmem:s10+$0x15020] =	vst v1;
	v1 =	vnsel vm15, $0x0, v2  }
0xd8: {  	[tilespmem:s10+$0x150A0] =	vst v1  }
0xd9: {  	v1 =	vld [tilespmem:s7+$0xFFFFFFE0]  }
0xda: {  	v2 =	vld [tilespmem:s8+$0xFFFFFFE0];
	_ =	sdelay $0x1  }
0xdb: {  	s18 =	sadd.s32 $0xA830, s14  }
0xdc: {  	v3 =	vor.u32 s18, v0  }
0xdd: {  	v61 =	vsub.s32 v1, v3;
	vm4 =	veq.s32 v1, v3  }
0xde: {  	v1 =	vnsel vm4, $0x0, v2;
	vm5 =	veq.s32 v61, $0x60  }
0xdf: {  	vm6 =	veq.s32 v61, $0x5400;
	[tilespmem:s10+$0xE030] =	vst v1;
	v1 =	vnsel vm5, $0x0, v2  }
0xe0: {  	vm7 =	veq.s32 v61, $0x5460;
	[tilespmem:s10+$0xE0B0] =	vst v1;
	v1 =	vnsel vm6, $0x0, v2  }
0xe1: {  	[tilespmem:s10+$0x15030] =	vst v1;
	v1 =	vnsel vm7, $0x0, v2  }
0xe2: {  	[tilespmem:s10+$0x150B0] =	vst v1  }
0xe3: {  	v1 =	vld [tilespmem:s7+$0xFFFFFFF0]  }
0xe4: {  	v2 =	vld [tilespmem:s8+$0xFFFFFFF0];
	_ =	sdelay $0x1  }
0xe5: {  	s28 =	sadd.s32 $0xA840, s14  }
0xe6: {  	v3 =	vor.u32 s28, v0  }
0xe7: {  	v62 =	vsub.s32 v1, v3;
	vm8 =	veq.s32 v1, v3  }
0xe8: {  	v1 =	vnsel vm8, $0x0, v2;
	vm9 =	veq.s32 v62, $0x60  }
0xe9: {  	vm10 =	veq.s32 v62, $0x5400;
	[tilespmem:s10+$0xE040] =	vst v1;
	v1 =	vnsel vm9, $0x0, v2  }
0xea: {  	vm11 =	veq.s32 v62, $0x5460;
	[tilespmem:s10+$0xE0C0] =	vst v1;
	v1 =	vnsel vm10, $0x0, v2  }
0xeb: {  	[tilespmem:s10+$0x15040] =	vst v1;
	v1 =	vnsel vm11, $0x0, v2  }
0xec: {  	[tilespmem:s10+$0x150C0] =	vst v1  }
0xed: {  	v1 =	vld [tilespmem:s7+$0x0]  }
0xee: {  	v2 =	vld [tilespmem:s8+$0x0];
	_ =	sdelay $0x1  }
0xef: {  	s31 =	sadd.s32 $0xA850, s14  }
0xf0: {  	v3 =	vor.u32 s31, v0  }
0xf1: {  	p1 =	sne.s32 s1, $0x1BC00;
	v63 =	vsub.s32 v1, v3;
	vm12 =	veq.s32 v1, v3  }
.Ltmp3:
0xf2: {  	v1 =	vnsel vm12, $0x0, v2;
	vm13 =	veq.s32 v63, $0x60;
	(pc) =	sbr.rel @p1 .LBB2_5-.Ltmp3, $4  }
0xf3: {  	vm14 =	veq.s32 v63, $0x5400;
	[tilespmem:s10+$0xE050] =	vst v1;
	v1 =	vnsel vm13, $0x0, v2  }
0xf4: {  	vm15 =	veq.s32 v63, $0x5460;
	[tilespmem:s10+$0xE0D0] =	vst v1;
	v1 =	vnsel vm14, $0x0, v2  }
0xf5: {  	s9 =	sadd.s32 $0xC0, s9;
	[tilespmem:s10+$0x15050] =	vst v1;
	v1 =	vnsel vm15, $0x0, v2  }
0xf6: {  	s1 =	sadd.s32 $0x400, s1;
	s7 =	sadd.s32 $0x80, s7;
	s8 =	sadd.s32 $0x80, s8;
	[tilespmem:s10+$0x150D0] =	vst v1  }
.Ltmp4:
0xf7: {  	(pc) =	sbr.rel @p0 .LBB2_8-.Ltmp4, $2  }
0xf8: {  	_ =	sdelay $0x2  }
0xf9: {  	[hbm4b:s0+s4] =	stream.linear.scatter [tilespmem:s21], [sflag:$0x5], $0xE000, $0x38;
	[tilespmem:$0x1C000] =	vst v63  }
0xfa: {  	s0 =	rddreg [dreg:$0x7]  }
0xfb: {  	s0 =	sadd.s32 s30, s0  }
0xfc: {  	s1 =	smulhi.u32 $0x92492493, s0;
	_ =	sdelay $0x1  }
0xfd: {  	s1 =	sshrl.u32 s1, $0x6  }
0xfe: {  	s3 =	smul.u32 $0x70, s1;
	_ =	sdelay $0x1  }
0xff: {  	s1 =	smul.u32 $0x188000, s1;
	s0 =	ssub.s32 s0, s3  }
0x100: {  	s0 =	smul.u32 $0x3800, s0;
	_ =	sdelay $0x1  }
0x101: {  	s0 =	sadd.s32 s0, s1  }
.Ltmp5:
0x102: {  	s31 =	simm.s32 $0xA800;
	s0 =	sshrl.u32 s0, $0x3;
	(pc) =	sbr.rel .LBB2_2-.Ltmp5, $4  }
0x103: {  	s29 =	sadd.s32 $0x1, s29;
	s30 =	simm.s32 $0x3800;
	s28 =	sadd.s32 s12, s0  }
0x104: {  	[tilespmem:s30], [sflag:$0x2] =	stream.linear.gather [hbm4b:s28+s4], $0x3800, $0x38;
	[tilespmem:$0x1C000] =	vst v63  }
0x105: {  	s25 =	sadd.s32 $0x15000, s25;
	s26 =	sadd.s32 $0x15000, s26;
	s0 =	sadd.s32 s5, s0  }
0x106: {  	[tilespmem:s31], [sflag:$0x4] =	stream.linear.gather [hbm4b:s0+s4], $0x3800, $0x38;
	[tilespmem:$0x1C000] =	vst v63  }
.LBB2_9:
0x107: {  	_ =	sfence.sel $0x180000  }
0x108: {  	[bflag:$0x0] =	sbarrier.arrive $0xFFFF  }
0x109: {  	_ =	strace $0x90000047  }
0x10a: {  	s0 =	stileid.u32;
	[bflag:$0x2] =	sbarrier.arrive $0xFFFF  }
0x10b: {  	p0 =	sne.s32 s0, $0x0;
	s0 =	rddreg [dreg:$0x2]  }
0x10c: {  	s0 =	sadd.s32 @!p0 $0x100000, s0  }
0x10d: {  	[sflag:s0] =	ssyncadd.tile.s32 @!p0 $0x1;
	_ =	shalt  }
.Lfunc_end2:
_tile_overlayer_lowered:
.L_overlay_start_2:
0x10e: {  	(tag) =	ssettag $0x2  }
0x10f: {  	s0 =	rddreg [dreg:$0x0];
	s2 =	stileid.u32  }
0x110: {  	s1 =	rddreg [dreg:$0x1];
	p0 =	sne.s32 s2, $0x0  }
0x111: {  	s3 =	rddreg [dreg:$0x2];
	[bflag:$0x3] =	sbarrier.arrive $0xFFFF;
	s2 =	simm.s32 @!p0 $0x1C06  }
0x112: {  	[timem:s3], [sflag:s2] =	dma.local @!p0 [hbm:s0], s1  }
0x113: {  	s0 =	simm.s32 @!p0 $0x6  }
0x114: {  	_ =	swait.ge @!p0 [sflag:s0], s1  }
0x115: {  	s1 =	ssub.s32 @!p0 $0x0, s1;
	[sflag:s0] =	ssyncset.done @!p0 $0x0  }
0x116: {  	[sflag:s0] =	ssyncadd.s32 @!p0 s1  }
0x117: {  	[bflag:$0x3] =	sbarrier.arrive $0xFFFF  }
0x118: {  	_ =	shalt  }

</sc_bundles>
